<compile_context>
chip_gen: v7x
topology: tpu7x:2x2x1
jax: 0.10.2.dev20260603
libtpu: 0.0.44.dev20260713+nightly
codegen_flags: <defaults>
</compile_context>

<pallas_src>
import functools

import jax
import jax.numpy as jnp
from jax import lax
from jax.experimental import pallas as pl
from jax.experimental.pallas import tpu as pltpu
from jax.experimental.pallas import tpu_sc as plsc

NC = 2
NS = 16
NW = NC * NS
CHUNK = 128
NBUF = 1

F32 = jnp.float32



def _proj_body(h_ref, b_ref, m_ref, ws_ref, hs_ref, sp_ref):
    h = h_ref[...]
    hb = jnp.dot(h, b_ref[...], preferred_element_type=F32)
    hs_ref[...] = jnp.dot(hb, m_ref[...], preferred_element_type=F32)
    sp_ref[...] = jnp.dot(h, ws_ref[...], preferred_element_type=F32)


def _proj2_body(p_ref, sp1_ref, b_ref, m_ref, ws_ref, hs_ref, sp_ref):
    h = jnp.maximum(p_ref[0] + p_ref[1] + sp1_ref[...], 0.0)
    hb = jnp.dot(h, b_ref[...], preferred_element_type=F32)
    hs_ref[...] = jnp.dot(hb, m_ref[...], preferred_element_type=F32)
    sp_ref[...] = jnp.dot(h, ws_ref[...], preferred_element_type=F32)


def _combine_body(p_ref, sp_ref, o_ref):
    o_ref[...] = jnp.maximum(p_ref[0] + p_ref[1] + sp_ref[...], 0.0)


def _full(shape):
    return pl.BlockSpec(shape, lambda i: tuple(0 for _ in shape))


def _proj1(h, b2, m, ws, blk):
    n, d = h.shape
    emb = ws.shape[1]
    r_emb = m.shape[1]
    grid = n // blk
    return pl.pallas_call(
        _proj_body,
        grid=(grid,),
        in_specs=[
            pl.BlockSpec((blk, d), lambda i: (i, 0)),
            _full(b2.shape),
            _full(m.shape),
            _full(ws.shape),
        ],
        out_specs=[
            pl.BlockSpec((blk, r_emb), lambda i: (i, 0)),
            pl.BlockSpec((blk, emb), lambda i: (i, 0)),
        ],
        out_shape=[
            jax.ShapeDtypeStruct((n, r_emb), F32),
            jax.ShapeDtypeStruct((n, emb), F32),
        ],
    )(h, b2, m, ws)


def _proj2(p, sp1, b2, m, ws, blk):
    n = sp1.shape[0]
    emb = ws.shape[1]
    r_emb = m.shape[1]
    grid = n // blk
    return pl.pallas_call(
        _proj2_body,
        grid=(grid,),
        in_specs=[
            pl.BlockSpec((2, blk, emb), lambda i: (0, i, 0)),
            pl.BlockSpec((blk, emb), lambda i: (i, 0)),
            _full(b2.shape),
            _full(m.shape),
            _full(ws.shape),
        ],
        out_specs=[
            pl.BlockSpec((blk, r_emb), lambda i: (i, 0)),
            pl.BlockSpec((blk, emb), lambda i: (i, 0)),
        ],
        out_shape=[
            jax.ShapeDtypeStruct((n, r_emb), F32),
            jax.ShapeDtypeStruct((n, emb), F32),
        ],
    )(p, sp1, b2, m, ws)


def _combine(p, sp, blk):
    n, emb = sp.shape
    grid = n // blk
    return pl.pallas_call(
        _combine_body,
        grid=(grid,),
        in_specs=[
            pl.BlockSpec((2, blk, emb), lambda i: (0, i, 0)),
            pl.BlockSpec((blk, emb), lambda i: (i, 0)),
        ],
        out_specs=pl.BlockSpec((blk, emb), lambda i: (i, 0)),
        out_shape=jax.ShapeDtypeStruct((n, emb), F32),
    )(p, sp)



def _make_sc_agg(n_nodes, nch, emb):
    agg_rows = -(-(n_nodes + 1) // 128) * 128
    zps = agg_rows // NS
    mesh = plsc.VectorSubcoreMesh(core_axis_name="c", subcore_axis_name="s")

    @functools.partial(
        pl.kernel,
        out_type=jax.ShapeDtypeStruct((NC, agg_rows, emb), F32),
        mesh=mesh,
        scratch_types=[
            pltpu.VMEM((nch, CHUNK), jnp.int32),
            pltpu.VMEM((nch, CHUNK), jnp.int32),
            pltpu.VMEM((nch, CHUNK), jnp.int32),
            pltpu.VMEM((CHUNK, emb), F32),
            pltpu.VMEM_SHARED((agg_rows, emb), F32),
            pltpu.SemaphoreType.DMA,
        ],
        compiler_params=pltpu.CompilerParams(use_tc_tiling_on_sc=False),
    )
    def sc_agg(hr_hbm, srcp_hbm, etyp_hbm, dstp_hbm, zeros_hbm, out_hbm,
               gidx_v, ety_v, dst_v, rows_v, agg_sh, gsem):
        cid = lax.axis_index("c")
        sid = lax.axis_index("s")
        wid = sid * NC + cid

        pltpu.sync_copy(srcp_hbm.at[wid], gidx_v)
        pltpu.sync_copy(etyp_hbm.at[wid], ety_v)
        pltpu.sync_copy(dstp_hbm.at[wid], dst_v)
        pltpu.sync_copy(zeros_hbm.at[pl.ds(sid * zps, zps)],
                        agg_sh.at[pl.ds(sid * zps, zps)])

        def gbody(j, carry):
            for k in range(CHUNK // 16):
                s = gidx_v[j, pl.ds(k * 16, 16)]
                t = ety_v[j, pl.ds(k * 16, 16)]
                gidx_v[j, pl.ds(k * 16, 16)] = s * 8 + t
            return carry

        lax.fori_loop(0, nch, gbody, 0)
        plsc.subcore_barrier()

        def mbody(j, carry):
            pltpu.async_copy(hr_hbm.at[gidx_v.at[j]], rows_v, gsem).wait()
            pltpu.sync_copy(rows_v, agg_sh.at[dst_v.at[j]], add=True)
            return carry

        lax.fori_loop(0, nch, mbody, 0)
        plsc.subcore_barrier()

        pltpu.sync_copy(agg_sh.at[pl.ds(sid * zps, zps)],
                        out_hbm.at[cid, pl.ds(sid * zps, zps)])

    return sc_agg



def kernel(x, edge_index, edge_type, w_in_bases, w_comp1, w_self1,
           w_bases2, w_comp2, w_self2):
    n, inp = x.shape
    nb, _, emb = w_in_bases.shape
    nr = w_comp1.shape[0]
    e = edge_type.shape[0]

    epw = -(-e // NW)
    epw = -(-epw // (CHUNK * NBUF)) * (CHUNK * NBUF)
    nch = epw // CHUNK
    e_pad = epw * NW
    pad = e_pad - e

    src = edge_index[0]
    dst = edge_index[1]
    zi = jnp.zeros((pad,), jnp.int32)
    srcp = jnp.concatenate([src, zi]).reshape(NW, nch, CHUNK)
    etyp = jnp.concatenate([edge_type, zi]).reshape(NW, nch, CHUNK)
    dstp = jnp.concatenate([dst, jnp.full((pad,), n, jnp.int32)]
                           ).reshape(NW, nch, CHUNK)
    zeros = jnp.zeros((-(-(n + 1) // 128) * 128, emb), F32)

    eye = jnp.eye(emb, dtype=F32)
    b1 = jnp.transpose(w_in_bases, (1, 0, 2)).reshape(inp, nb * emb)
    m1 = (w_comp1.T[:, None, :, None] * eye[None, :, None, :]
          ).reshape(nb * emb, nr * emb)
    b2 = jnp.transpose(w_bases2, (1, 0, 2)).reshape(emb, nb * emb)
    m2 = (w_comp2.T[:, None, :, None] * eye[None, :, None, :]
          ).reshape(nb * emb, nr * emb)

    sc_agg = _make_sc_agg(n, nch, emb)
    blk = 1000

    hs1, sp1 = _proj1(x, b1, m1, w_self1, blk)
    p1 = sc_agg(hs1.reshape(n * nr, emb), srcp, etyp, dstp, zeros)
    hs2, sp2 = _proj2(p1, sp1, b2, m2, w_self2, blk)
    p2 = sc_agg(hs2.reshape(n * nr, emb), srcp, etyp, dstp, zeros)
    return _combine(p2, sp2, blk)

# --- scband reference (transcript-rebuilt; emitter-appended) ---
"""Pipeline reference for scband-inter-view-rgcn-60498909331463 (READ-ONLY COPY).

The authoritative reference and input builder live on the scoring server;
editing this copy changes nothing except your own understanding.
"""

import jax, jax.numpy as jnp
import numpy as np

N = 10000
E = 320000
INP = 128
EMB = 32
NUM_RELS = 8
NUM_BASES = 4


def setup_inputs(seed: int = 0) -> dict:
    key = jax.random.key(seed)
    ks = jax.random.split(key, 10)
    x = jax.random.normal(ks[0], (N, INP), dtype=jnp.float32)
    edge_index = jax.random.randint(ks[1], (2, E), 0, N, dtype=jnp.int32)
    edge_type = jax.random.randint(ks[2], (E,), 0, NUM_RELS, dtype=jnp.int32)
    # Learned parameters (basis-decomposition RGCN, 2 layers: input + 1 hidden)
    w_in_bases = jax.random.normal(ks[3], (NUM_BASES, INP, EMB), dtype=jnp.float32) * 0.05
    w_comp1 = jax.random.normal(ks[4], (NUM_RELS, NUM_BASES), dtype=jnp.float32) * 0.5
    w_self1 = jax.random.normal(ks[5], (INP, EMB), dtype=jnp.float32) * 0.05
    w_bases2 = jax.random.normal(ks[6], (NUM_BASES, EMB, EMB), dtype=jnp.float32) * 0.05
    w_comp2 = jax.random.normal(ks[7], (NUM_RELS, NUM_BASES), dtype=jnp.float32) * 0.5
    w_self2 = jax.random.normal(ks[8], (EMB, EMB), dtype=jnp.float32) * 0.05
    return {
        "x": x,
        "edge_index": edge_index,
        "edge_type": edge_type,
        "w_in_bases": w_in_bases,
        "w_comp1": w_comp1,
        "w_self1": w_self1,
        "w_bases2": w_bases2,
        "w_comp2": w_comp2,
        "w_self2": w_self2,
    }


def _rgcn_layer(h, bases, comp, w_self, src, dst, etype, n_nodes):
    # Project node features through each basis matrix once: [N, B, out]
    hb = jnp.einsum("nd,bde->nbe", h, bases)
    # Gather per-edge source projections (memory-bound gather)
    gath = hb[src]                      # [E, B, out]
    coef = comp[etype]                  # [E, B] per-relation basis coefficients
    msg = jnp.einsum("ebo,eb->eo", gath, coef)  # [E, out]
    # Sum aggregation at destination nodes (scatter-add)
    agg = jax.ops.segment_sum(msg, dst, num_segments=n_nodes)
    # Self-loop + activation (dropout=0.0, identity at eval)
    return jax.nn.relu(agg + h @ w_self)


def reference(x, edge_index, edge_type, w_in_bases, w_comp1, w_self1, w_bases2, w_comp2, w_self2):
    src = edge_index[0]
    dst = edge_index[1]
    h = _rgcn_layer(x, w_in_bases, w_comp1, w_self1, src, dst, edge_type, N)
    h = _rgcn_layer(h, w_bases2, w_comp2, w_self2, src, dst, edge_type, N)
    return h

if __name__ == "__main__":
    import jax
    _d = setup_inputs()
    print(jax.jit(kernel)(*tuple(_d.values())))

</pallas_src>

<mosaic_0001>
#map = affine_map<(d0, d1) -> (0, 0)>
#map1 = affine_map<(d0, d1) -> (0, 0, 0)>
module attributes {stable_mosaic.version = 14 : i64} {
  func.func @sc_agg(%arg0: i32, %arg1: i32, %arg2: memref<80000x32xf32, #tpu.memory_space<hbm>>, %arg3: memref<32x79x128xi32, #tpu.memory_space<hbm>>, %arg4: memref<32x79x128xi32, #tpu.memory_space<hbm>>, %arg5: memref<32x79x128xi32, #tpu.memory_space<hbm>>, %arg6: memref<10112x32xf32, #tpu.memory_space<hbm>>, %arg7: memref<2x10112x32xf32, #tpu.memory_space<hbm>>, %arg8: memref<79x128xi32, #tpu.memory_space<vmem>>, %arg9: memref<79x128xi32, #tpu.memory_space<vmem>>, %arg10: memref<79x128xi32, #tpu.memory_space<vmem>>, %arg11: memref<128x32xf32, #tpu.memory_space<vmem>>, %arg12: memref<10112x32xf32, #tpu.memory_space<vmem_shared>>, %arg13: memref<!tpu.dma_semaphore, #tpu.memory_space<semaphore_mem>>) attributes {dimension_semantics = [#tpu.dimension_semantics<core_parallel>, #tpu.dimension_semantics<subcore_parallel>], iteration_bounds = array<i64: 2, 16>, scalar_prefetch = 0 : i64, scratch_operands = 6 : i64, tpu.core_type = #tpu.core_type<sc_vector_subcore>, window_params = [{transform_indices = #map}, {transform_indices = #map1}, {transform_indices = #map1}, {transform_indices = #map1}, {transform_indices = #map}, {transform_indices = #map1}]} {
    %mul3A = arith.constant 2 : i32
    %mul3A_0 = arith.muli %arg1, %mul3A : i32
    %add3A = arith.addi %mul3A_0, %arg0 : i32
    "tpu.region"() ({
      %run_scoped3A = tpu.sem_alloc : memref<!tpu.dma_semaphore, #tpu.memory_space<semaphore_mem>>
      %dma_start3A = arith.constant 0 : i32
      %dma_start3A_21 = arith.constant 0 : i32
      %dma_start3A_22 = tpu.memref_slice %arg3[%add3A, %dma_start3A, %dma_start3A_21] : memref<32x79x128xi32, #tpu.memory_space<hbm>> -> memref<1x79x128xi32, #tpu.memory_space<hbm>>
      %dma_start3A_23 = tpu.memref_squeeze %dma_start3A_22 : memref<1x79x128xi32, #tpu.memory_space<hbm>> -> memref<79x128xi32, #tpu.memory_space<hbm>>
      %dma_start3A_24 = arith.constant 0 : i32
      %dma_start3A_25 = arith.constant 0 : i32
      %dma_start3A_26 = tpu.memref_slice %arg3[%add3A, %dma_start3A_24, %dma_start3A_25] : memref<32x79x128xi32, #tpu.memory_space<hbm>> -> memref<1x79x128xi32, #tpu.memory_space<hbm>>
      %dma_start3A_27 = tpu.memref_squeeze %dma_start3A_26 : memref<1x79x128xi32, #tpu.memory_space<hbm>> -> memref<79x128xi32, #tpu.memory_space<hbm>>
      tpu.enqueue_dma source(%dma_start3A_27 : memref<79x128xi32, #tpu.memory_space<hbm>>) target(%arg8 : memref<79x128xi32, #tpu.memory_space<vmem>>) target_semaphore(%run_scoped3A : memref<!tpu.dma_semaphore, #tpu.memory_space<semaphore_mem>>)
      %dma_wait3A = arith.constant 0 : i32
      %dma_wait3A_28 = arith.constant 0 : i32
      %dma_wait3A_29 = tpu.memref_slice %arg3[%add3A, %dma_wait3A, %dma_wait3A_28] : memref<32x79x128xi32, #tpu.memory_space<hbm>> -> memref<1x79x128xi32, #tpu.memory_space<hbm>>
      %dma_wait3A_30 = tpu.memref_squeeze %dma_wait3A_29 : memref<1x79x128xi32, #tpu.memory_space<hbm>> -> memref<79x128xi32, #tpu.memory_space<hbm>>
      %dma_wait3A_31 = arith.constant 0 : i32
      %dma_wait3A_32 = arith.constant 0 : i32
      %dma_wait3A_33 = tpu.memref_slice %arg3[%add3A, %dma_wait3A_31, %dma_wait3A_32] : memref<32x79x128xi32, #tpu.memory_space<hbm>> -> memref<1x79x128xi32, #tpu.memory_space<hbm>>
      %dma_wait3A_34 = tpu.memref_squeeze %dma_wait3A_33 : memref<1x79x128xi32, #tpu.memory_space<hbm>> -> memref<79x128xi32, #tpu.memory_space<hbm>>
      tpu.wait_dma2 semaphore(%run_scoped3A : memref<!tpu.dma_semaphore, #tpu.memory_space<semaphore_mem>>) src(%dma_wait3A_34 : memref<79x128xi32, #tpu.memory_space<hbm>>) dst(%arg8 : memref<79x128xi32, #tpu.memory_space<vmem>>)
      tpu.yield
    }) : () -> ()
    "tpu.region"() ({
      %run_scoped3A = tpu.sem_alloc : memref<!tpu.dma_semaphore, #tpu.memory_space<semaphore_mem>>
      %dma_start3A = arith.constant 0 : i32
      %dma_start3A_21 = arith.constant 0 : i32
      %dma_start3A_22 = tpu.memref_slice %arg4[%add3A, %dma_start3A, %dma_start3A_21] : memref<32x79x128xi32, #tpu.memory_space<hbm>> -> memref<1x79x128xi32, #tpu.memory_space<hbm>>
      %dma_start3A_23 = tpu.memref_squeeze %dma_start3A_22 : memref<1x79x128xi32, #tpu.memory_space<hbm>> -> memref<79x128xi32, #tpu.memory_space<hbm>>
      %dma_start3A_24 = arith.constant 0 : i32
      %dma_start3A_25 = arith.constant 0 : i32
      %dma_start3A_26 = tpu.memref_slice %arg4[%add3A, %dma_start3A_24, %dma_start3A_25] : memref<32x79x128xi32, #tpu.memory_space<hbm>> -> memref<1x79x128xi32, #tpu.memory_space<hbm>>
      %dma_start3A_27 = tpu.memref_squeeze %dma_start3A_26 : memref<1x79x128xi32, #tpu.memory_space<hbm>> -> memref<79x128xi32, #tpu.memory_space<hbm>>
      tpu.enqueue_dma source(%dma_start3A_27 : memref<79x128xi32, #tpu.memory_space<hbm>>) target(%arg9 : memref<79x128xi32, #tpu.memory_space<vmem>>) target_semaphore(%run_scoped3A : memref<!tpu.dma_semaphore, #tpu.memory_space<semaphore_mem>>)
      %dma_wait3A = arith.constant 0 : i32
      %dma_wait3A_28 = arith.constant 0 : i32
      %dma_wait3A_29 = tpu.memref_slice %arg4[%add3A, %dma_wait3A, %dma_wait3A_28] : memref<32x79x128xi32, #tpu.memory_space<hbm>> -> memref<1x79x128xi32, #tpu.memory_space<hbm>>
      %dma_wait3A_30 = tpu.memref_squeeze %dma_wait3A_29 : memref<1x79x128xi32, #tpu.memory_space<hbm>> -> memref<79x128xi32, #tpu.memory_space<hbm>>
      %dma_wait3A_31 = arith.constant 0 : i32
      %dma_wait3A_32 = arith.constant 0 : i32
      %dma_wait3A_33 = tpu.memref_slice %arg4[%add3A, %dma_wait3A_31, %dma_wait3A_32] : memref<32x79x128xi32, #tpu.memory_space<hbm>> -> memref<1x79x128xi32, #tpu.memory_space<hbm>>
      %dma_wait3A_34 = tpu.memref_squeeze %dma_wait3A_33 : memref<1x79x128xi32, #tpu.memory_space<hbm>> -> memref<79x128xi32, #tpu.memory_space<hbm>>
      tpu.wait_dma2 semaphore(%run_scoped3A : memref<!tpu.dma_semaphore, #tpu.memory_space<semaphore_mem>>) src(%dma_wait3A_34 : memref<79x128xi32, #tpu.memory_space<hbm>>) dst(%arg9 : memref<79x128xi32, #tpu.memory_space<vmem>>)
      tpu.yield
    }) : () -> ()
    "tpu.region"() ({
      %run_scoped3A = tpu.sem_alloc : memref<!tpu.dma_semaphore, #tpu.memory_space<semaphore_mem>>
      %dma_start3A = arith.constant 0 : i32
      %dma_start3A_21 = arith.constant 0 : i32
      %dma_start3A_22 = tpu.memref_slice %arg5[%add3A, %dma_start3A, %dma_start3A_21] : memref<32x79x128xi32, #tpu.memory_space<hbm>> -> memref<1x79x128xi32, #tpu.memory_space<hbm>>
      %dma_start3A_23 = tpu.memref_squeeze %dma_start3A_22 : memref<1x79x128xi32, #tpu.memory_space<hbm>> -> memref<79x128xi32, #tpu.memory_space<hbm>>
      %dma_start3A_24 = arith.constant 0 : i32
      %dma_start3A_25 = arith.constant 0 : i32
      %dma_start3A_26 = tpu.memref_slice %arg5[%add3A, %dma_start3A_24, %dma_start3A_25] : memref<32x79x128xi32, #tpu.memory_space<hbm>> -> memref<1x79x128xi32, #tpu.memory_space<hbm>>
      %dma_start3A_27 = tpu.memref_squeeze %dma_start3A_26 : memref<1x79x128xi32, #tpu.memory_space<hbm>> -> memref<79x128xi32, #tpu.memory_space<hbm>>
      tpu.enqueue_dma source(%dma_start3A_27 : memref<79x128xi32, #tpu.memory_space<hbm>>) target(%arg10 : memref<79x128xi32, #tpu.memory_space<vmem>>) target_semaphore(%run_scoped3A : memref<!tpu.dma_semaphore, #tpu.memory_space<semaphore_mem>>)
      %dma_wait3A = arith.constant 0 : i32
      %dma_wait3A_28 = arith.constant 0 : i32
      %dma_wait3A_29 = tpu.memref_slice %arg5[%add3A, %dma_wait3A, %dma_wait3A_28] : memref<32x79x128xi32, #tpu.memory_space<hbm>> -> memref<1x79x128xi32, #tpu.memory_space<hbm>>
      %dma_wait3A_30 = tpu.memref_squeeze %dma_wait3A_29 : memref<1x79x128xi32, #tpu.memory_space<hbm>> -> memref<79x128xi32, #tpu.memory_space<hbm>>
      %dma_wait3A_31 = arith.constant 0 : i32
      %dma_wait3A_32 = arith.constant 0 : i32
      %dma_wait3A_33 = tpu.memref_slice %arg5[%add3A, %dma_wait3A_31, %dma_wait3A_32] : memref<32x79x128xi32, #tpu.memory_space<hbm>> -> memref<1x79x128xi32, #tpu.memory_space<hbm>>
      %dma_wait3A_34 = tpu.memref_squeeze %dma_wait3A_33 : memref<1x79x128xi32, #tpu.memory_space<hbm>> -> memref<79x128xi32, #tpu.memory_space<hbm>>
      tpu.wait_dma2 semaphore(%run_scoped3A : memref<!tpu.dma_semaphore, #tpu.memory_space<semaphore_mem>>) src(%dma_wait3A_34 : memref<79x128xi32, #tpu.memory_space<hbm>>) dst(%arg10 : memref<79x128xi32, #tpu.memory_space<vmem>>)
      tpu.yield
    }) : () -> ()
    %mul3A_1 = arith.constant 632 : i32
    %mul3A_2 = arith.muli %arg1, %mul3A_1 : i32
    %mul3A_3 = arith.constant 632 : i32
    %mul3A_4 = arith.muli %arg1, %mul3A_3 : i32
    "tpu.region"() ({
      %run_scoped3A = tpu.sem_alloc : memref<!tpu.dma_semaphore, #tpu.memory_space<semaphore_mem>>
      %dma_start3A = arith.constant 0 : i32
      %dma_start3A_21 = tpu.memref_slice %arg12[%mul3A_4, %dma_start3A] : memref<10112x32xf32, #tpu.memory_space<vmem_shared>> -> memref<632x32xf32, #tpu.memory_space<vmem_shared>>
      %dma_start3A_22 = arith.constant 0 : i32
      %dma_start3A_23 = tpu.memref_slice %arg6[%mul3A_2, %dma_start3A_22] : memref<10112x32xf32, #tpu.memory_space<hbm>> -> memref<632x32xf32, #tpu.memory_space<hbm>>
      tpu.enqueue_dma source(%dma_start3A_23 : memref<632x32xf32, #tpu.memory_space<hbm>>) target(%dma_start3A_21 : memref<632x32xf32, #tpu.memory_space<vmem_shared>>) target_semaphore(%run_scoped3A : memref<!tpu.dma_semaphore, #tpu.memory_space<semaphore_mem>>)
      %dma_wait3A = arith.constant 0 : i32
      %dma_wait3A_24 = tpu.memref_slice %arg12[%mul3A_4, %dma_wait3A] : memref<10112x32xf32, #tpu.memory_space<vmem_shared>> -> memref<632x32xf32, #tpu.memory_space<vmem_shared>>
      %dma_wait3A_25 = arith.constant 0 : i32
      %dma_wait3A_26 = tpu.memref_slice %arg6[%mul3A_2, %dma_wait3A_25] : memref<10112x32xf32, #tpu.memory_space<hbm>> -> memref<632x32xf32, #tpu.memory_space<hbm>>
      tpu.wait_dma2 semaphore(%run_scoped3A : memref<!tpu.dma_semaphore, #tpu.memory_space<semaphore_mem>>) src(%dma_wait3A_26 : memref<632x32xf32, #tpu.memory_space<hbm>>) dst(%dma_wait3A_24 : memref<632x32xf32, #tpu.memory_space<vmem_shared>>)
      tpu.yield
    }) : () -> ()
    %scan3A = arith.constant 0 : i32
    %scan3A_5 = arith.constant 0 : i32
    %scan3A_6 = arith.constant 79 : i32
    %scan3A_7 = arith.addi %scan3A_5, %scan3A_6 : i32
    %scan3A_8 = arith.constant 1 : i32
    scf.for %scan3A_21 = %scan3A_5 to %scan3A_7 step %scan3A_8  : i32 {
      %get3A = arith.index_cast %scan3A_21 : i32 to index
      %get3A_22 = arith.constant 0 : index
      %get3A_23 = tpu.vector_load %arg8[%get3A, %get3A_22] {strides = array<i32>} : memref<79x128xi32, #tpu.memory_space<vmem>>, vector<1x16xi32>,
      %get3A_24 = vector.shape_cast %get3A_23 : vector<1x16xi32> to vector<16xi32>
      %get3A_25 = arith.index_cast %scan3A_21 : i32 to index
      %get3A_26 = arith.constant 0 : index
      %get3A_27 = tpu.vector_load %arg9[%get3A_25, %get3A_26] {strides = array<i32>} : memref<79x128xi32, #tpu.memory_space<vmem>>, vector<1x16xi32>,
      %get3A_28 = vector.shape_cast %get3A_27 : vector<1x16xi32> to vector<16xi32>
      %mul3A_29 = arith.constant 8 : i32
      %mul3A_30 = vector.broadcast %mul3A_29 : i32 to vector<16xi32>
      %mul3A_31 = arith.muli %get3A_24, %mul3A_30 : vector<16xi32>
      %add3A_32 = arith.addi %mul3A_31, %get3A_28 : vector<16xi32>
      %swap3A = arith.index_cast %scan3A_21 : i32 to index
      %swap3A_33 = arith.constant 0 : index
      %swap3A_34 = tpu.vector_load %arg8[%swap3A, %swap3A_33] {strides = array<i32>} : memref<79x128xi32, #tpu.memory_space<vmem>>, vector<1x16xi32>,
      %swap3A_35 = vector.shape_cast %swap3A_34 : vector<1x16xi32> to vector<16xi32>
      %swap3A_36 = vector.shape_cast %add3A_32 : vector<16xi32> to vector<1x16xi32>
      tpu.vector_store %arg8[%swap3A, %swap3A_33], %swap3A_36 {strides = array<i32>} : memref<79x128xi32, #tpu.memory_space<vmem>>, vector<1x16xi32>,
      %get3A_37 = arith.index_cast %scan3A_21 : i32 to index
      %get3A_38 = arith.constant 16 : index
      %get3A_39 = tpu.vector_load %arg8[%get3A_37, %get3A_38] {strides = array<i32>} : memref<79x128xi32, #tpu.memory_space<vmem>>, vector<1x16xi32>,
      %get3A_40 = vector.shape_cast %get3A_39 : vector<1x16xi32> to vector<16xi32>
      %get3A_41 = arith.index_cast %scan3A_21 : i32 to index
      %get3A_42 = arith.constant 16 : index
      %get3A_43 = tpu.vector_load %arg9[%get3A_41, %get3A_42] {strides = array<i32>} : memref<79x128xi32, #tpu.memory_space<vmem>>, vector<1x16xi32>,
      %get3A_44 = vector.shape_cast %get3A_43 : vector<1x16xi32> to vector<16xi32>
      %mul3A_45 = arith.constant 8 : i32
      %mul3A_46 = vector.broadcast %mul3A_45 : i32 to vector<16xi32>
      %mul3A_47 = arith.muli %get3A_40, %mul3A_46 : vector<16xi32>
      %add3A_48 = arith.addi %mul3A_47, %get3A_44 : vector<16xi32>
      %swap3A_49 = arith.index_cast %scan3A_21 : i32 to index
      %swap3A_50 = arith.constant 16 : index
      %swap3A_51 = tpu.vector_load %arg8[%swap3A_49, %swap3A_50] {strides = array<i32>} : memref<79x128xi32, #tpu.memory_space<vmem>>, vector<1x16xi32>,
      %swap3A_52 = vector.shape_cast %swap3A_51 : vector<1x16xi32> to vector<16xi32>
      %swap3A_53 = vector.shape_cast %add3A_48 : vector<16xi32> to vector<1x16xi32>
      tpu.vector_store %arg8[%swap3A_49, %swap3A_50], %swap3A_53 {strides = array<i32>} : memref<79x128xi32, #tpu.memory_space<vmem>>, vector<1x16xi32>,
      %get3A_54 = arith.index_cast %scan3A_21 : i32 to index
      %get3A_55 = arith.constant 32 : index
      %get3A_56 = tpu.vector_load %arg8[%get3A_54, %get3A_55] {strides = array<i32>} : memref<79x128xi32, #tpu.memory_space<vmem>>, vector<1x16xi32>,
      %get3A_57 = vector.shape_cast %get3A_56 : vector<1x16xi32> to vector<16xi32>
      %get3A_58 = arith.index_cast %scan3A_21 : i32 to index
      %get3A_59 = arith.constant 32 : index
      %get3A_60 = tpu.vector_load %arg9[%get3A_58, %get3A_59] {strides = array<i32>} : memref<79x128xi32, #tpu.memory_space<vmem>>, vector<1x16xi32>,
      %get3A_61 = vector.shape_cast %get3A_60 : vector<1x16xi32> to vector<16xi32>
      %mul3A_62 = arith.constant 8 : i32
      %mul3A_63 = vector.broadcast %mul3A_62 : i32 to vector<16xi32>
      %mul3A_64 = arith.muli %get3A_57, %mul3A_63 : vector<16xi32>
      %add3A_65 = arith.addi %mul3A_64, %get3A_61 : vector<16xi32>
      %swap3A_66 = arith.index_cast %scan3A_21 : i32 to index
      %swap3A_67 = arith.constant 32 : index
      %swap3A_68 = tpu.vector_load %arg8[%swap3A_66, %swap3A_67] {strides = array<i32>} : memref<79x128xi32, #tpu.memory_space<vmem>>, vector<1x16xi32>,
      %swap3A_69 = vector.shape_cast %swap3A_68 : vector<1x16xi32> to vector<16xi32>
      %swap3A_70 = vector.shape_cast %add3A_65 : vector<16xi32> to vector<1x16xi32>
      tpu.vector_store %arg8[%swap3A_66, %swap3A_67], %swap3A_70 {strides = array<i32>} : memref<79x128xi32, #tpu.memory_space<vmem>>, vector<1x16xi32>,
      %get3A_71 = arith.index_cast %scan3A_21 : i32 to index
      %get3A_72 = arith.constant 48 : index
      %get3A_73 = tpu.vector_load %arg8[%get3A_71, %get3A_72] {strides = array<i32>} : memref<79x128xi32, #tpu.memory_space<vmem>>, vector<1x16xi32>,
      %get3A_74 = vector.shape_cast %get3A_73 : vector<1x16xi32> to vector<16xi32>
      %get3A_75 = arith.index_cast %scan3A_21 : i32 to index
      %get3A_76 = arith.constant 48 : index
      %get3A_77 = tpu.vector_load %arg9[%get3A_75, %get3A_76] {strides = array<i32>} : memref<79x128xi32, #tpu.memory_space<vmem>>, vector<1x16xi32>,
      %get3A_78 = vector.shape_cast %get3A_77 : vector<1x16xi32> to vector<16xi32>
      %mul3A_79 = arith.constant 8 : i32
      %mul3A_80 = vector.broadcast %mul3A_79 : i32 to vector<16xi32>
      %mul3A_81 = arith.muli %get3A_74, %mul3A_80 : vector<16xi32>
      %add3A_82 = arith.addi %mul3A_81, %get3A_78 : vector<16xi32>
      %swap3A_83 = arith.index_cast %scan3A_21 : i32 to index
      %swap3A_84 = arith.constant 48 : index
      %swap3A_85 = tpu.vector_load %arg8[%swap3A_83, %swap3A_84] {strides = array<i32>} : memref<79x128xi32, #tpu.memory_space<vmem>>, vector<1x16xi32>,
      %swap3A_86 = vector.shape_cast %swap3A_85 : vector<1x16xi32> to vector<16xi32>
      %swap3A_87 = vector.shape_cast %add3A_82 : vector<16xi32> to vector<1x16xi32>
      tpu.vector_store %arg8[%swap3A_83, %swap3A_84], %swap3A_87 {strides = array<i32>} : memref<79x128xi32, #tpu.memory_space<vmem>>, vector<1x16xi32>,
      %get3A_88 = arith.index_cast %scan3A_21 : i32 to index
      %get3A_89 = arith.constant 64 : index
      %get3A_90 = tpu.vector_load %arg8[%get3A_88, %get3A_89] {strides = array<i32>} : memref<79x128xi32, #tpu.memory_space<vmem>>, vector<1x16xi32>,
      %get3A_91 = vector.shape_cast %get3A_90 : vector<1x16xi32> to vector<16xi32>
      %get3A_92 = arith.index_cast %scan3A_21 : i32 to index
      %get3A_93 = arith.constant 64 : index
      %get3A_94 = tpu.vector_load %arg9[%get3A_92, %get3A_93] {strides = array<i32>} : memref<79x128xi32, #tpu.memory_space<vmem>>, vector<1x16xi32>,
      %get3A_95 = vector.shape_cast %get3A_94 : vector<1x16xi32> to vector<16xi32>
      %mul3A_96 = arith.constant 8 : i32
      %mul3A_97 = vector.broadcast %mul3A_96 : i32 to vector<16xi32>
      %mul3A_98 = arith.muli %get3A_91, %mul3A_97 : vector<16xi32>
      %add3A_99 = arith.addi %mul3A_98, %get3A_95 : vector<16xi32>
      %swap3A_100 = arith.index_cast %scan3A_21 : i32 to index
      %swap3A_101 = arith.constant 64 : index
      %swap3A_102 = tpu.vector_load %arg8[%swap3A_100, %swap3A_101] {strides = array<i32>} : memref<79x128xi32, #tpu.memory_space<vmem>>, vector<1x16xi32>,
      %swap3A_103 = vector.shape_cast %swap3A_102 : vector<1x16xi32> to vector<16xi32>
      %swap3A_104 = vector.shape_cast %add3A_99 : vector<16xi32> to vector<1x16xi32>
      tpu.vector_store %arg8[%swap3A_100, %swap3A_101], %swap3A_104 {strides = array<i32>} : memref<79x128xi32, #tpu.memory_space<vmem>>, vector<1x16xi32>,
      %get3A_105 = arith.index_cast %scan3A_21 : i32 to index
      %get3A_106 = arith.constant 80 : index
      %get3A_107 = tpu.vector_load %arg8[%get3A_105, %get3A_106] {strides = array<i32>} : memref<79x128xi32, #tpu.memory_space<vmem>>, vector<1x16xi32>,
      %get3A_108 = vector.shape_cast %get3A_107 : vector<1x16xi32> to vector<16xi32>
      %get3A_109 = arith.index_cast %scan3A_21 : i32 to index
      %get3A_110 = arith.constant 80 : index
      %get3A_111 = tpu.vector_load %arg9[%get3A_109, %get3A_110] {strides = array<i32>} : memref<79x128xi32, #tpu.memory_space<vmem>>, vector<1x16xi32>,
      %get3A_112 = vector.shape_cast %get3A_111 : vector<1x16xi32> to vector<16xi32>
      %mul3A_113 = arith.constant 8 : i32
      %mul3A_114 = vector.broadcast %mul3A_113 : i32 to vector<16xi32>
      %mul3A_115 = arith.muli %get3A_108, %mul3A_114 : vector<16xi32>
      %add3A_116 = arith.addi %mul3A_115, %get3A_112 : vector<16xi32>
      %swap3A_117 = arith.index_cast %scan3A_21 : i32 to index
      %swap3A_118 = arith.constant 80 : index
      %swap3A_119 = tpu.vector_load %arg8[%swap3A_117, %swap3A_118] {strides = array<i32>} : memref<79x128xi32, #tpu.memory_space<vmem>>, vector<1x16xi32>,
      %swap3A_120 = vector.shape_cast %swap3A_119 : vector<1x16xi32> to vector<16xi32>
      %swap3A_121 = vector.shape_cast %add3A_116 : vector<16xi32> to vector<1x16xi32>
      tpu.vector_store %arg8[%swap3A_117, %swap3A_118], %swap3A_121 {strides = array<i32>} : memref<79x128xi32, #tpu.memory_space<vmem>>, vector<1x16xi32>,
      %get3A_122 = arith.index_cast %scan3A_21 : i32 to index
      %get3A_123 = arith.constant 96 : index
      %get3A_124 = tpu.vector_load %arg8[%get3A_122, %get3A_123] {strides = array<i32>} : memref<79x128xi32, #tpu.memory_space<vmem>>, vector<1x16xi32>,
      %get3A_125 = vector.shape_cast %get3A_124 : vector<1x16xi32> to vector<16xi32>
      %get3A_126 = arith.index_cast %scan3A_21 : i32 to index
      %get3A_127 = arith.constant 96 : index
      %get3A_128 = tpu.vector_load %arg9[%get3A_126, %get3A_127] {strides = array<i32>} : memref<79x128xi32, #tpu.memory_space<vmem>>, vector<1x16xi32>,
      %get3A_129 = vector.shape_cast %get3A_128 : vector<1x16xi32> to vector<16xi32>
      %mul3A_130 = arith.constant 8 : i32
      %mul3A_131 = vector.broadcast %mul3A_130 : i32 to vector<16xi32>
      %mul3A_132 = arith.muli %get3A_125, %mul3A_131 : vector<16xi32>
      %add3A_133 = arith.addi %mul3A_132, %get3A_129 : vector<16xi32>
      %swap3A_134 = arith.index_cast %scan3A_21 : i32 to index
      %swap3A_135 = arith.constant 96 : index
      %swap3A_136 = tpu.vector_load %arg8[%swap3A_134, %swap3A_135] {strides = array<i32>} : memref<79x128xi32, #tpu.memory_space<vmem>>, vector<1x16xi32>,
      %swap3A_137 = vector.shape_cast %swap3A_136 : vector<1x16xi32> to vector<16xi32>
      %swap3A_138 = vector.shape_cast %add3A_133 : vector<16xi32> to vector<1x16xi32>
      tpu.vector_store %arg8[%swap3A_134, %swap3A_135], %swap3A_138 {strides = array<i32>} : memref<79x128xi32, #tpu.memory_space<vmem>>, vector<1x16xi32>,
      %get3A_139 = arith.index_cast %scan3A_21 : i32 to index
      %get3A_140 = arith.constant 112 : index
      %get3A_141 = tpu.vector_load %arg8[%get3A_139, %get3A_140] {strides = array<i32>} : memref<79x128xi32, #tpu.memory_space<vmem>>, vector<1x16xi32>,
      %get3A_142 = vector.shape_cast %get3A_141 : vector<1x16xi32> to vector<16xi32>
      %get3A_143 = arith.index_cast %scan3A_21 : i32 to index
      %get3A_144 = arith.constant 112 : index
      %get3A_145 = tpu.vector_load %arg9[%get3A_143, %get3A_144] {strides = array<i32>} : memref<79x128xi32, #tpu.memory_space<vmem>>, vector<1x16xi32>,
      %get3A_146 = vector.shape_cast %get3A_145 : vector<1x16xi32> to vector<16xi32>
      %mul3A_147 = arith.constant 8 : i32
      %mul3A_148 = vector.broadcast %mul3A_147 : i32 to vector<16xi32>
      %mul3A_149 = arith.muli %get3A_142, %mul3A_148 : vector<16xi32>
      %add3A_150 = arith.addi %mul3A_149, %get3A_146 : vector<16xi32>
      %swap3A_151 = arith.index_cast %scan3A_21 : i32 to index
      %swap3A_152 = arith.constant 112 : index
      %swap3A_153 = tpu.vector_load %arg8[%swap3A_151, %swap3A_152] {strides = array<i32>} : memref<79x128xi32, #tpu.memory_space<vmem>>, vector<1x16xi32>,
      %swap3A_154 = vector.shape_cast %swap3A_153 : vector<1x16xi32> to vector<16xi32>
      %swap3A_155 = vector.shape_cast %add3A_150 : vector<16xi32> to vector<1x16xi32>
      tpu.vector_store %arg8[%swap3A_151, %swap3A_152], %swap3A_155 {strides = array<i32>} : memref<79x128xi32, #tpu.memory_space<vmem>>, vector<1x16xi32>,
    }
    %scan3A_9 = arith.constant 79 : i32
    %barrier3A = arith.constant 0 : index
    tpu.barrier barrier_id(%barrier3A)
    %scan3A_10 = arith.constant 0 : i32
    %scan3A_11 = arith.constant 0 : i32
    %scan3A_12 = arith.constant 79 : i32
    %scan3A_13 = arith.addi %scan3A_11, %scan3A_12 : i32
    %scan3A_14 = arith.constant 1 : i32
    scf.for %scan3A_21 = %scan3A_11 to %scan3A_13 step %scan3A_14  : i32 {
      %dma_start3A = arith.constant 0 : i32
      %dma_start3A_22 = tpu.memref_slice %arg8[%scan3A_21, %dma_start3A] : memref<79x128xi32, #tpu.memory_space<vmem>> -> memref<1x128xi32, #tpu.memory_space<vmem>>
      %dma_start3A_23 = tpu.memref_squeeze %dma_start3A_22 : memref<1x128xi32, #tpu.memory_space<vmem>> -> memref<128xi32, #tpu.memory_space<vmem>>
      %dma_start3A_24 = arith.constant 0 : i32
      %dma_start3A_25 = arith.constant 0 : i32
      %dma_start3A_26 = tpu.memref_slice %arg2[%dma_start3A_24, %dma_start3A_25] : memref<80000x32xf32, #tpu.memory_space<hbm>> -> memref<80000x32xf32, #tpu.memory_space<hbm>>
      tpu.enqueue_indirect_dma source(%dma_start3A_26 : memref<80000x32xf32, #tpu.memory_space<hbm>>) target(%arg11 : memref<128x32xf32, #tpu.memory_space<vmem>>) offsets(%dma_start3A_23 : memref<128xi32, #tpu.memory_space<vmem>>) semaphore(%arg13 : memref<!tpu.dma_semaphore, #tpu.memory_space<semaphore_mem>>)
      %dma_wait3A = arith.constant 0 : i32
      %dma_wait3A_27 = tpu.memref_slice %arg8[%scan3A_21, %dma_wait3A] : memref<79x128xi32, #tpu.memory_space<vmem>> -> memref<1x128xi32, #tpu.memory_space<vmem>>
      %dma_wait3A_28 = tpu.memref_squeeze %dma_wait3A_27 : memref<1x128xi32, #tpu.memory_space<vmem>> -> memref<128xi32, #tpu.memory_space<vmem>>
      %dma_wait3A_29 = arith.constant 0 : i32
      %dma_wait3A_30 = arith.constant 0 : i32
      %dma_wait3A_31 = tpu.memref_slice %arg2[%dma_wait3A_29, %dma_wait3A_30] : memref<80000x32xf32, #tpu.memory_space<hbm>> -> memref<80000x32xf32, #tpu.memory_space<hbm>>
      tpu.wait_indirect_dma semaphore(%arg13 : memref<!tpu.dma_semaphore, #tpu.memory_space<semaphore_mem>>) src(%dma_wait3A_31 : memref<80000x32xf32, #tpu.memory_space<hbm>>) dst(%arg11 : memref<128x32xf32, #tpu.memory_space<vmem>>)
      "tpu.region"() ({
        %run_scoped3A = tpu.sem_alloc : memref<!tpu.dma_semaphore, #tpu.memory_space<semaphore_mem>>
        %dma_start3A_32 = arith.constant 0 : i32
        %dma_start3A_33 = tpu.memref_slice %arg10[%scan3A_21, %dma_start3A_32] : memref<79x128xi32, #tpu.memory_space<vmem>> -> memref<1x128xi32, #tpu.memory_space<vmem>>
        %dma_start3A_34 = tpu.memref_squeeze %dma_start3A_33 : memref<1x128xi32, #tpu.memory_space<vmem>> -> memref<128xi32, #tpu.memory_space<vmem>>
        %dma_start3A_35 = arith.constant 0 : i32
        %dma_start3A_36 = arith.constant 0 : i32
        %dma_start3A_37 = tpu.memref_slice %arg12[%dma_start3A_35, %dma_start3A_36] : memref<10112x32xf32, #tpu.memory_space<vmem_shared>> -> memref<10112x32xf32, #tpu.memory_space<vmem_shared>>
        tpu.enqueue_indirect_dma source(%arg11 : memref<128x32xf32, #tpu.memory_space<vmem>>) target(%dma_start3A_37 : memref<10112x32xf32, #tpu.memory_space<vmem_shared>>) offsets(%dma_start3A_34 : memref<128xi32, #tpu.memory_space<vmem>>) semaphore(%run_scoped3A : memref<!tpu.dma_semaphore, #tpu.memory_space<semaphore_mem>>) {add = true}
        %dma_wait3A_38 = arith.constant 0 : i32
        %dma_wait3A_39 = tpu.memref_slice %arg10[%scan3A_21, %dma_wait3A_38] : memref<79x128xi32, #tpu.memory_space<vmem>> -> memref<1x128xi32, #tpu.memory_space<vmem>>
        %dma_wait3A_40 = tpu.memref_squeeze %dma_wait3A_39 : memref<1x128xi32, #tpu.memory_space<vmem>> -> memref<128xi32, #tpu.memory_space<vmem>>
        %dma_wait3A_41 = arith.constant 0 : i32
        %dma_wait3A_42 = arith.constant 0 : i32
        %dma_wait3A_43 = tpu.memref_slice %arg12[%dma_wait3A_41, %dma_wait3A_42] : memref<10112x32xf32, #tpu.memory_space<vmem_shared>> -> memref<10112x32xf32, #tpu.memory_space<vmem_shared>>
        tpu.wait_indirect_dma semaphore(%run_scoped3A : memref<!tpu.dma_semaphore, #tpu.memory_space<semaphore_mem>>) src(%arg11 : memref<128x32xf32, #tpu.memory_space<vmem>>) dst(%dma_wait3A_43 : memref<10112x32xf32, #tpu.memory_space<vmem_shared>>)
        tpu.yield
      }) : () -> ()
    }
    %scan3A_15 = arith.constant 79 : i32
    %barrier3A_16 = arith.constant 0 : index
    tpu.barrier barrier_id(%barrier3A_16)
    %mul3A_17 = arith.constant 632 : i32
    %mul3A_18 = arith.muli %arg1, %mul3A_17 : i32
    %mul3A_19 = arith.constant 632 : i32
    %mul3A_20 = arith.muli %arg1, %mul3A_19 : i32
    "tpu.region"() ({
      %run_scoped3A = tpu.sem_alloc : memref<!tpu.dma_semaphore, #tpu.memory_space<semaphore_mem>>
      %dma_start3A = arith.constant 0 : i32
      %dma_start3A_21 = tpu.memref_slice %arg7[%arg0, %mul3A_20, %dma_start3A] : memref<2x10112x32xf32, #tpu.memory_space<hbm>> -> memref<1x632x32xf32, #tpu.memory_space<hbm>>
      %dma_start3A_22 = tpu.memref_squeeze %dma_start3A_21 : memref<1x632x32xf32, #tpu.memory_space<hbm>> -> memref<632x32xf32, #tpu.memory_space<hbm>>
      %dma_start3A_23 = arith.constant 0 : i32
      %dma_start3A_24 = tpu.memref_slice %arg12[%mul3A_18, %dma_start3A_23] : memref<10112x32xf32, #tpu.memory_space<vmem_shared>> -> memref<632x32xf32, #tpu.memory_space<vmem_shared>>
      tpu.enqueue_dma source(%dma_start3A_24 : memref<632x32xf32, #tpu.memory_space<vmem_shared>>) target(%dma_start3A_22 : memref<632x32xf32, #tpu.memory_space<hbm>>) target_semaphore(%run_scoped3A : memref<!tpu.dma_semaphore, #tpu.memory_space<semaphore_mem>>)
      %dma_wait3A = arith.constant 0 : i32
      %dma_wait3A_25 = tpu.memref_slice %arg7[%arg0, %mul3A_20, %dma_wait3A] : memref<2x10112x32xf32, #tpu.memory_space<hbm>> -> memref<1x632x32xf32, #tpu.memory_space<hbm>>
      %dma_wait3A_26 = tpu.memref_squeeze %dma_wait3A_25 : memref<1x632x32xf32, #tpu.memory_space<hbm>> -> memref<632x32xf32, #tpu.memory_space<hbm>>
      %dma_wait3A_27 = arith.constant 0 : i32
      %dma_wait3A_28 = tpu.memref_slice %arg12[%mul3A_18, %dma_wait3A_27] : memref<10112x32xf32, #tpu.memory_space<vmem_shared>> -> memref<632x32xf32, #tpu.memory_space<vmem_shared>>
      tpu.wait_dma2 semaphore(%run_scoped3A : memref<!tpu.dma_semaphore, #tpu.memory_space<semaphore_mem>>) src(%dma_wait3A_28 : memref<632x32xf32, #tpu.memory_space<vmem_shared>>) dst(%dma_wait3A_26 : memref<632x32xf32, #tpu.memory_space<hbm>>)
      tpu.yield
    }) : () -> ()
    return
  }
}

#map = affine_map<(d0, d1) -> (0, 0)>
#map1 = affine_map<(d0, d1) -> (0, 0, 0)>
module attributes {stable_mosaic.version = 14 : i64} {
  func.func @sc_agg(%arg0: i32, %arg1: i32, %arg2: memref<80000x32xf32, #tpu.memory_space<hbm>>, %arg3: memref<32x79x128xi32, #tpu.memory_space<hbm>>, %arg4: memref<32x79x128xi32, #tpu.memory_space<hbm>>, %arg5: memref<32x79x128xi32, #tpu.memory_space<hbm>>, %arg6: memref<10112x32xf32, #tpu.memory_space<hbm>>, %arg7: memref<2x10112x32xf32, #tpu.memory_space<hbm>>, %arg8: memref<79x128xi32, #tpu.memory_space<vmem>>, %arg9: memref<79x128xi32, #tpu.memory_space<vmem>>, %arg10: memref<79x128xi32, #tpu.memory_space<vmem>>, %arg11: memref<128x32xf32, #tpu.memory_space<vmem>>, %arg12: memref<10112x32xf32, #tpu.memory_space<vmem_shared>>, %arg13: memref<!tpu.dma_semaphore, #tpu.memory_space<semaphore_mem>>) attributes {dimension_semantics = [#tpu.dimension_semantics<core_parallel>, #tpu.dimension_semantics<subcore_parallel>], iteration_bounds = array<i64: 2, 16>, scalar_prefetch = 0 : i64, scratch_operands = 6 : i64, tpu.core_type = #tpu.core_type<sc_vector_subcore>, window_params = [{transform_indices = #map}, {transform_indices = #map1}, {transform_indices = #map1}, {transform_indices = #map1}, {transform_indices = #map}, {transform_indices = #map1}]} {
    %mul3A = arith.constant 2 : i32
    %mul3A_0 = arith.muli %arg1, %mul3A : i32
    %add3A = arith.addi %mul3A_0, %arg0 : i32
    "tpu.region"() ({
      %run_scoped3A = tpu.sem_alloc : memref<!tpu.dma_semaphore, #tpu.memory_space<semaphore_mem>>
      %dma_start3A = arith.constant 0 : i32
      %dma_start3A_21 = arith.constant 0 : i32
      %dma_start3A_22 = tpu.memref_slice %arg3[%add3A, %dma_start3A, %dma_start3A_21] : memref<32x79x128xi32, #tpu.memory_space<hbm>> -> memref<1x79x128xi32, #tpu.memory_space<hbm>>
      %dma_start3A_23 = tpu.memref_squeeze %dma_start3A_22 : memref<1x79x128xi32, #tpu.memory_space<hbm>> -> memref<79x128xi32, #tpu.memory_space<hbm>>
      %dma_start3A_24 = arith.constant 0 : i32
      %dma_start3A_25 = arith.constant 0 : i32
      %dma_start3A_26 = tpu.memref_slice %arg3[%add3A, %dma_start3A_24, %dma_start3A_25] : memref<32x79x128xi32, #tpu.memory_space<hbm>> -> memref<1x79x128xi32, #tpu.memory_space<hbm>>
      %dma_start3A_27 = tpu.memref_squeeze %dma_start3A_26 : memref<1x79x128xi32, #tpu.memory_space<hbm>> -> memref<79x128xi32, #tpu.memory_space<hbm>>
      tpu.enqueue_dma source(%dma_start3A_27 : memref<79x128xi32, #tpu.memory_space<hbm>>) target(%arg8 : memref<79x128xi32, #tpu.memory_space<vmem>>) target_semaphore(%run_scoped3A : memref<!tpu.dma_semaphore, #tpu.memory_space<semaphore_mem>>)
      %dma_wait3A = arith.constant 0 : i32
      %dma_wait3A_28 = arith.constant 0 : i32
      %dma_wait3A_29 = tpu.memref_slice %arg3[%add3A, %dma_wait3A, %dma_wait3A_28] : memref<32x79x128xi32, #tpu.memory_space<hbm>> -> memref<1x79x128xi32, #tpu.memory_space<hbm>>
      %dma_wait3A_30 = tpu.memref_squeeze %dma_wait3A_29 : memref<1x79x128xi32, #tpu.memory_space<hbm>> -> memref<79x128xi32, #tpu.memory_space<hbm>>
      %dma_wait3A_31 = arith.constant 0 : i32
      %dma_wait3A_32 = arith.constant 0 : i32
      %dma_wait3A_33 = tpu.memref_slice %arg3[%add3A, %dma_wait3A_31, %dma_wait3A_32] : memref<32x79x128xi32, #tpu.memory_space<hbm>> -> memref<1x79x128xi32, #tpu.memory_space<hbm>>
      %dma_wait3A_34 = tpu.memref_squeeze %dma_wait3A_33 : memref<1x79x128xi32, #tpu.memory_space<hbm>> -> memref<79x128xi32, #tpu.memory_space<hbm>>
      tpu.wait_dma2 semaphore(%run_scoped3A : memref<!tpu.dma_semaphore, #tpu.memory_space<semaphore_mem>>) src(%dma_wait3A_34 : memref<79x128xi32, #tpu.memory_space<hbm>>) dst(%arg8 : memref<79x128xi32, #tpu.memory_space<vmem>>)
      tpu.yield
    }) : () -> ()
    "tpu.region"() ({
      %run_scoped3A = tpu.sem_alloc : memref<!tpu.dma_semaphore, #tpu.memory_space<semaphore_mem>>
      %dma_start3A = arith.constant 0 : i32
      %dma_start3A_21 = arith.constant 0 : i32
      %dma_start3A_22 = tpu.memref_slice %arg4[%add3A, %dma_start3A, %dma_start3A_21] : memref<32x79x128xi32, #tpu.memory_space<hbm>> -> memref<1x79x128xi32, #tpu.memory_space<hbm>>
      %dma_start3A_23 = tpu.memref_squeeze %dma_start3A_22 : memref<1x79x128xi32, #tpu.memory_space<hbm>> -> memref<79x128xi32, #tpu.memory_space<hbm>>
      %dma_start3A_24 = arith.constant 0 : i32
      %dma_start3A_25 = arith.constant 0 : i32
      %dma_start3A_26 = tpu.memref_slice %arg4[%add3A, %dma_start3A_24, %dma_start3A_25] : memref<32x79x128xi32, #tpu.memory_space<hbm>> -> memref<1x79x128xi32, #tpu.memory_space<hbm>>
      %dma_start3A_27 = tpu.memref_squeeze %dma_start3A_26 : memref<1x79x128xi32, #tpu.memory_space<hbm>> -> memref<79x128xi32, #tpu.memory_space<hbm>>
      tpu.enqueue_dma source(%dma_start3A_27 : memref<79x128xi32, #tpu.memory_space<hbm>>) target(%arg9 : memref<79x128xi32, #tpu.memory_space<vmem>>) target_semaphore(%run_scoped3A : memref<!tpu.dma_semaphore, #tpu.memory_space<semaphore_mem>>)
      %dma_wait3A = arith.constant 0 : i32
      %dma_wait3A_28 = arith.constant 0 : i32
      %dma_wait3A_29 = tpu.memref_slice %arg4[%add3A, %dma_wait3A, %dma_wait3A_28] : memref<32x79x128xi32, #tpu.memory_space<hbm>> -> memref<1x79x128xi32, #tpu.memory_space<hbm>>
      %dma_wait3A_30 = tpu.memref_squeeze %dma_wait3A_29 : memref<1x79x128xi32, #tpu.memory_space<hbm>> -> memref<79x128xi32, #tpu.memory_space<hbm>>
      %dma_wait3A_31 = arith.constant 0 : i32
      %dma_wait3A_32 = arith.constant 0 : i32
      %dma_wait3A_33 = tpu.memref_slice %arg4[%add3A, %dma_wait3A_31, %dma_wait3A_32] : memref<32x79x128xi32, #tpu.memory_space<hbm>> -> memref<1x79x128xi32, #tpu.memory_space<hbm>>
      %dma_wait3A_34 = tpu.memref_squeeze %dma_wait3A_33 : memref<1x79x128xi32, #tpu.memory_space<hbm>> -> memref<79x128xi32, #tpu.memory_space<hbm>>
      tpu.wait_dma2 semaphore(%run_scoped3A : memref<!tpu.dma_semaphore, #tpu.memory_space<semaphore_mem>>) src(%dma_wait3A_34 : memref<79x128xi32, #tpu.memory_space<hbm>>) dst(%arg9 : memref<79x128xi32, #tpu.memory_space<vmem>>)
      tpu.yield
    }) : () -> ()
    "tpu.region"() ({
      %run_scoped3A = tpu.sem_alloc : memref<!tpu.dma_semaphore, #tpu.memory_space<semaphore_mem>>
      %dma_start3A = arith.constant 0 : i32
      %dma_start3A_21 = arith.constant 0 : i32
      %dma_start3A_22 = tpu.memref_slice %arg5[%add3A, %dma_start3A, %dma_start3A_21] : memref<32x79x128xi32, #tpu.memory_space<hbm>> -> memref<1x79x128xi32, #tpu.memory_space<hbm>>
      %dma_start3A_23 = tpu.memref_squeeze %dma_start3A_22 : memref<1x79x128xi32, #tpu.memory_space<hbm>> -> memref<79x128xi32, #tpu.memory_space<hbm>>
      %dma_start3A_24 = arith.constant 0 : i32
      %dma_start3A_25 = arith.constant 0 : i32
      %dma_start3A_26 = tpu.memref_slice %arg5[%add3A, %dma_start3A_24, %dma_start3A_25] : memref<32x79x128xi32, #tpu.memory_space<hbm>> -> memref<1x79x128xi32, #tpu.memory_space<hbm>>
      %dma_start3A_27 = tpu.memref_squeeze %dma_start3A_26 : memref<1x79x128xi32, #tpu.memory_space<hbm>> -> memref<79x128xi32, #tpu.memory_space<hbm>>
      tpu.enqueue_dma source(%dma_start3A_27 : memref<79x128xi32, #tpu.memory_space<hbm>>) target(%arg10 : memref<79x128xi32, #tpu.memory_space<vmem>>) target_semaphore(%run_scoped3A : memref<!tpu.dma_semaphore, #tpu.memory_space<semaphore_mem>>)
      %dma_wait3A = arith.constant 0 : i32
      %dma_wait3A_28 = arith.constant 0 : i32
      %dma_wait3A_29 = tpu.memref_slice %arg5[%add3A, %dma_wait3A, %dma_wait3A_28] : memref<32x79x128xi32, #tpu.memory_space<hbm>> -> memref<1x79x128xi32, #tpu.memory_space<hbm>>
      %dma_wait3A_30 = tpu.memref_squeeze %dma_wait3A_29 : memref<1x79x128xi32, #tpu.memory_space<hbm>> -> memref<79x128xi32, #tpu.memory_space<hbm>>
      %dma_wait3A_31 = arith.constant 0 : i32
      %dma_wait3A_32 = arith.constant 0 : i32
      %dma_wait3A_33 = tpu.memref_slice %arg5[%add3A, %dma_wait3A_31, %dma_wait3A_32] : memref<32x79x128xi32, #tpu.memory_space<hbm>> -> memref<1x79x128xi32, #tpu.memory_space<hbm>>
      %dma_wait3A_34 = tpu.memref_squeeze %dma_wait3A_33 : memref<1x79x128xi32, #tpu.memory_space<hbm>> -> memref<79x128xi32, #tpu.memory_space<hbm>>
      tpu.wait_dma2 semaphore(%run_scoped3A : memref<!tpu.dma_semaphore, #tpu.memory_space<semaphore_mem>>) src(%dma_wait3A_34 : memref<79x128xi32, #tpu.memory_space<hbm>>) dst(%arg10 : memref<79x128xi32, #tpu.memory_space<vmem>>)
      tpu.yield
    }) : () -> ()
    %mul3A_1 = arith.constant 632 : i32
    %mul3A_2 = arith.muli %arg1, %mul3A_1 : i32
    %mul3A_3 = arith.constant 632 : i32
    %mul3A_4 = arith.muli %arg1, %mul3A_3 : i32
    "tpu.region"() ({
      %run_scoped3A = tpu.sem_alloc : memref<!tpu.dma_semaphore, #tpu.memory_space<semaphore_mem>>
      %dma_start3A = arith.constant 0 : i32
      %dma_start3A_21 = tpu.memref_slice %arg12[%mul3A_4, %dma_start3A] : memref<10112x32xf32, #tpu.memory_space<vmem_shared>> -> memref<632x32xf32, #tpu.memory_space<vmem_shared>>
      %dma_start3A_22 = arith.constant 0 : i32
      %dma_start3A_23 = tpu.memref_slice %arg6[%mul3A_2, %dma_start3A_22] : memref<10112x32xf32, #tpu.memory_space<hbm>> -> memref<632x32xf32, #tpu.memory_space<hbm>>
      tpu.enqueue_dma source(%dma_start3A_23 : memref<632x32xf32, #tpu.memory_space<hbm>>) target(%dma_start3A_21 : memref<632x32xf32, #tpu.memory_space<vmem_shared>>) target_semaphore(%run_scoped3A : memref<!tpu.dma_semaphore, #tpu.memory_space<semaphore_mem>>)
      %dma_wait3A = arith.constant 0 : i32
      %dma_wait3A_24 = tpu.memref_slice %arg12[%mul3A_4, %dma_wait3A] : memref<10112x32xf32, #tpu.memory_space<vmem_shared>> -> memref<632x32xf32, #tpu.memory_space<vmem_shared>>
      %dma_wait3A_25 = arith.constant 0 : i32
      %dma_wait3A_26 = tpu.memref_slice %arg6[%mul3A_2, %dma_wait3A_25] : memref<10112x32xf32, #tpu.memory_space<hbm>> -> memref<632x32xf32, #tpu.memory_space<hbm>>
      tpu.wait_dma2 semaphore(%run_scoped3A : memref<!tpu.dma_semaphore, #tpu.memory_space<semaphore_mem>>) src(%dma_wait3A_26 : memref<632x32xf32, #tpu.memory_space<hbm>>) dst(%dma_wait3A_24 : memref<632x32xf32, #tpu.memory_space<vmem_shared>>)
      tpu.yield
    }) : () -> ()
    %scan3A = arith.constant 0 : i32
    %scan3A_5 = arith.constant 0 : i32
    %scan3A_6 = arith.constant 79 : i32
    %scan3A_7 = arith.addi %scan3A_5, %scan3A_6 : i32
    %scan3A_8 = arith.constant 1 : i32
    scf.for %scan3A_21 = %scan3A_5 to %scan3A_7 step %scan3A_8  : i32 {
      %get3A = arith.index_cast %scan3A_21 : i32 to index
      %get3A_22 = arith.constant 0 : index
      %get3A_23 = tpu.vector_load %arg8[%get3A, %get3A_22] {strides = array<i32>} : memref<79x128xi32, #tpu.memory_space<vmem>>, vector<1x16xi32>,
      %get3A_24 = vector.shape_cast %get3A_23 : vector<1x16xi32> to vector<16xi32>
      %get3A_25 = arith.index_cast %scan3A_21 : i32 to index
      %get3A_26 = arith.constant 0 : index
      %get3A_27 = tpu.vector_load %arg9[%get3A_25, %get3A_26] {strides = array<i32>} : memref<79x128xi32, #tpu.memory_space<vmem>>, vector<1x16xi32>,
      %get3A_28 = vector.shape_cast %get3A_27 : vector<1x16xi32> to vector<16xi32>
      %mul3A_29 = arith.constant 8 : i32
      %mul3A_30 = vector.broadcast %mul3A_29 : i32 to vector<16xi32>
      %mul3A_31 = arith.muli %get3A_24, %mul3A_30 : vector<16xi32>
      %add3A_32 = arith.addi %mul3A_31, %get3A_28 : vector<16xi32>
      %swap3A = arith.index_cast %scan3A_21 : i32 to index
      %swap3A_33 = arith.constant 0 : index
      %swap3A_34 = tpu.vector_load %arg8[%swap3A, %swap3A_33] {strides = array<i32>} : memref<79x128xi32, #tpu.memory_space<vmem>>, vector<1x16xi32>,
      %swap3A_35 = vector.shape_cast %swap3A_34 : vector<1x16xi32> to vector<16xi32>
      %swap3A_36 = vector.shape_cast %add3A_32 : vector<16xi32> to vector<1x16xi32>
      tpu.vector_store %arg8[%swap3A, %swap3A_33], %swap3A_36 {strides = array<i32>} : memref<79x128xi32, #tpu.memory_space<vmem>>, vector<1x16xi32>,
      %get3A_37 = arith.index_cast %scan3A_21 : i32 to index
      %get3A_38 = arith.constant 16 : index
      %get3A_39 = tpu.vector_load %arg8[%get3A_37, %get3A_38] {strides = array<i32>} : memref<79x128xi32, #tpu.memory_space<vmem>>, vector<1x16xi32>,
      %get3A_40 = vector.shape_cast %get3A_39 : vector<1x16xi32> to vector<16xi32>
      %get3A_41 = arith.index_cast %scan3A_21 : i32 to index
      %get3A_42 = arith.constant 16 : index
      %get3A_43 = tpu.vector_load %arg9[%get3A_41, %get3A_42] {strides = array<i32>} : memref<79x128xi32, #tpu.memory_space<vmem>>, vector<1x16xi32>,
      %get3A_44 = vector.shape_cast %get3A_43 : vector<1x16xi32> to vector<16xi32>
      %mul3A_45 = arith.constant 8 : i32
      %mul3A_46 = vector.broadcast %mul3A_45 : i32 to vector<16xi32>
      %mul3A_47 = arith.muli %get3A_40, %mul3A_46 : vector<16xi32>
      %add3A_48 = arith.addi %mul3A_47, %get3A_44 : vector<16xi32>
      %swap3A_49 = arith.index_cast %scan3A_21 : i32 to index
      %swap3A_50 = arith.constant 16 : index
      %swap3A_51 = tpu.vector_load %arg8[%swap3A_49, %swap3A_50] {strides = array<i32>} : memref<79x128xi32, #tpu.memory_space<vmem>>, vector<1x16xi32>,
      %swap3A_52 = vector.shape_cast %swap3A_51 : vector<1x16xi32> to vector<16xi32>
      %swap3A_53 = vector.shape_cast %add3A_48 : vector<16xi32> to vector<1x16xi32>
      tpu.vector_store %arg8[%swap3A_49, %swap3A_50], %swap3A_53 {strides = array<i32>} : memref<79x128xi32, #tpu.memory_space<vmem>>, vector<1x16xi32>,
      %get3A_54 = arith.index_cast %scan3A_21 : i32 to index
      %get3A_55 = arith.constant 32 : index
      %get3A_56 = tpu.vector_load %arg8[%get3A_54, %get3A_55] {strides = array<i32>} : memref<79x128xi32, #tpu.memory_space<vmem>>, vector<1x16xi32>,
      %get3A_57 = vector.shape_cast %get3A_56 : vector<1x16xi32> to vector<16xi32>
      %get3A_58 = arith.index_cast %scan3A_21 : i32 to index
      %get3A_59 = arith.constant 32 : index
      %get3A_60 = tpu.vector_load %arg9[%get3A_58, %get3A_59] {strides = array<i32>} : memref<79x128xi32, #tpu.memory_space<vmem>>, vector<1x16xi32>,
      %get3A_61 = vector.shape_cast %get3A_60 : vector<1x16xi32> to vector<16xi32>
      %mul3A_62 = arith.constant 8 : i32
      %mul3A_63 = vector.broadcast %mul3A_62 : i32 to vector<16xi32>
      %mul3A_64 = arith.muli %get3A_57, %mul3A_63 : vector<16xi32>
      %add3A_65 = arith.addi %mul3A_64, %get3A_61 : vector<16xi32>
      %swap3A_66 = arith.index_cast %scan3A_21 : i32 to index
      %swap3A_67 = arith.constant 32 : index
      %swap3A_68 = tpu.vector_load %arg8[%swap3A_66, %swap3A_67] {strides = array<i32>} : memref<79x128xi32, #tpu.memory_space<vmem>>, vector<1x16xi32>,
      %swap3A_69 = vector.shape_cast %swap3A_68 : vector<1x16xi32> to vector<16xi32>
      %swap3A_70 = vector.shape_cast %add3A_65 : vector<16xi32> to vector<1x16xi32>
      tpu.vector_store %arg8[%swap3A_66, %swap3A_67], %swap3A_70 {strides = array<i32>} : memref<79x128xi32, #tpu.memory_space<vmem>>, vector<1x16xi32>,
      %get3A_71 = arith.index_cast %scan3A_21 : i32 to index
      %get3A_72 = arith.constant 48 : index
      %get3A_73 = tpu.vector_load %arg8[%get3A_71, %get3A_72] {strides = array<i32>} : memref<79x128xi32, #tpu.memory_space<vmem>>, vector<1x16xi32>,
      %get3A_74 = vector.shape_cast %get3A_73 : vector<1x16xi32> to vector<16xi32>
      %get3A_75 = arith.index_cast %scan3A_21 : i32 to index
      %get3A_76 = arith.constant 48 : index
      %get3A_77 = tpu.vector_load %arg9[%get3A_75, %get3A_76] {strides = array<i32>} : memref<79x128xi32, #tpu.memory_space<vmem>>, vector<1x16xi32>,
      %get3A_78 = vector.shape_cast %get3A_77 : vector<1x16xi32> to vector<16xi32>
      %mul3A_79 = arith.constant 8 : i32
      %mul3A_80 = vector.broadcast %mul3A_79 : i32 to vector<16xi32>
      %mul3A_81 = arith.muli %get3A_74, %mul3A_80 : vector<16xi32>
      %add3A_82 = arith.addi %mul3A_81, %get3A_78 : vector<16xi32>
      %swap3A_83 = arith.index_cast %scan3A_21 : i32 to index
      %swap3A_84 = arith.constant 48 : index
      %swap3A_85 = tpu.vector_load %arg8[%swap3A_83, %swap3A_84] {strides = array<i32>} : memref<79x128xi32, #tpu.memory_space<vmem>>, vector<1x16xi32>,
      %swap3A_86 = vector.shape_cast %swap3A_85 : vector<1x16xi32> to vector<16xi32>
      %swap3A_87 = vector.shape_cast %add3A_82 : vector<16xi32> to vector<1x16xi32>
      tpu.vector_store %arg8[%swap3A_83, %swap3A_84], %swap3A_87 {strides = array<i32>} : memref<79x128xi32, #tpu.memory_space<vmem>>, vector<1x16xi32>,
      %get3A_88 = arith.index_cast %scan3A_21 : i32 to index
      %get3A_89 = arith.constant 64 : index
      %get3A_90 = tpu.vector_load %arg8[%get3A_88, %get3A_89] {strides = array<i32>} : memref<79x128xi32, #tpu.memory_space<vmem>>, vector<1x16xi32>,
      %get3A_91 = vector.shape_cast %get3A_90 : vector<1x16xi32> to vector<16xi32>
      %get3A_92 = arith.index_cast %scan3A_21 : i32 to index
      %get3A_93 = arith.constant 64 : index
      %get3A_94 = tpu.vector_load %arg9[%get3A_92, %get3A_93] {strides = array<i32>} : memref<79x128xi32, #tpu.memory_space<vmem>>, vector<1x16xi32>,
      %get3A_95 = vector.shape_cast %get3A_94 : vector<1x16xi32> to vector<16xi32>
      %mul3A_96 = arith.constant 8 : i32
      %mul3A_97 = vector.broadcast %mul3A_96 : i32 to vector<16xi32>
      %mul3A_98 = arith.muli %get3A_91, %mul3A_97 : vector<16xi32>
      %add3A_99 = arith.addi %mul3A_98, %get3A_95 : vector<16xi32>
      %swap3A_100 = arith.index_cast %scan3A_21 : i32 to index
      %swap3A_101 = arith.constant 64 : index
      %swap3A_102 = tpu.vector_load %arg8[%swap3A_100, %swap3A_101] {strides = array<i32>} : memref<79x128xi32, #tpu.memory_space<vmem>>, vector<1x16xi32>,
      %swap3A_103 = vector.shape_cast %swap3A_102 : vector<1x16xi32> to vector<16xi32>
      %swap3A_104 = vector.shape_cast %add3A_99 : vector<16xi32> to vector<1x16xi32>
      tpu.vector_store %arg8[%swap3A_100, %swap3A_101], %swap3A_104 {strides = array<i32>} : memref<79x128xi32, #tpu.memory_space<vmem>>, vector<1x16xi32>,
      %get3A_105 = arith.index_cast %scan3A_21 : i32 to index
      %get3A_106 = arith.constant 80 : index
      %get3A_107 = tpu.vector_load %arg8[%get3A_105, %get3A_106] {strides = array<i32>} : memref<79x128xi32, #tpu.memory_space<vmem>>, vector<1x16xi32>,
      %get3A_108 = vector.shape_cast %get3A_107 : vector<1x16xi32> to vector<16xi32>
      %get3A_109 = arith.index_cast %scan3A_21 : i32 to index
      %get3A_110 = arith.constant 80 : index
      %get3A_111 = tpu.vector_load %arg9[%get3A_109, %get3A_110] {strides = array<i32>} : memref<79x128xi32, #tpu.memory_space<vmem>>, vector<1x16xi32>,
      %get3A_112 = vector.shape_cast %get3A_111 : vector<1x16xi32> to vector<16xi32>
      %mul3A_113 = arith.constant 8 : i32
      %mul3A_114 = vector.broadcast %mul3A_113 : i32 to vector<16xi32>
      %mul3A_115 = arith.muli %get3A_108, %mul3A_114 : vector<16xi32>
      %add3A_116 = arith.addi %mul3A_115, %get3A_112 : vector<16xi32>
      %swap3A_117 = arith.index_cast %scan3A_21 : i32 to index
      %swap3A_118 = arith.constant 80 : index
      %swap3A_119 = tpu.vector_load %arg8[%swap3A_117, %swap3A_118] {strides = array<i32>} : memref<79x128xi32, #tpu.memory_space<vmem>>, vector<1x16xi32>,
      %swap3A_120 = vector.shape_cast %swap3A_119 : vector<1x16xi32> to vector<16xi32>
      %swap3A_121 = vector.shape_cast %add3A_116 : vector<16xi32> to vector<1x16xi32>
      tpu.vector_store %arg8[%swap3A_117, %swap3A_118], %swap3A_121 {strides = array<i32>} : memref<79x128xi32, #tpu.memory_space<vmem>>, vector<1x16xi32>,
      %get3A_122 = arith.index_cast %scan3A_21 : i32 to index
      %get3A_123 = arith.constant 96 : index
      %get3A_124 = tpu.vector_load %arg8[%get3A_122, %get3A_123] {strides = array<i32>} : memref<79x128xi32, #tpu.memory_space<vmem>>, vector<1x16xi32>,
      %get3A_125 = vector.shape_cast %get3A_124 : vector<1x16xi32> to vector<16xi32>
      %get3A_126 = arith.index_cast %scan3A_21 : i32 to index
      %get3A_127 = arith.constant 96 : index
      %get3A_128 = tpu.vector_load %arg9[%get3A_126, %get3A_127] {strides = array<i32>} : memref<79x128xi32, #tpu.memory_space<vmem>>, vector<1x16xi32>,
      %get3A_129 = vector.shape_cast %get3A_128 : vector<1x16xi32> to vector<16xi32>
      %mul3A_130 = arith.constant 8 : i32
      %mul3A_131 = vector.broadcast %mul3A_130 : i32 to vector<16xi32>
      %mul3A_132 = arith.muli %get3A_125, %mul3A_131 : vector<16xi32>
      %add3A_133 = arith.addi %mul3A_132, %get3A_129 : vector<16xi32>
      %swap3A_134 = arith.index_cast %scan3A_21 : i32 to index
      %swap3A_135 = arith.constant 96 : index
      %swap3A_136 = tpu.vector_load %arg8[%swap3A_134, %swap3A_135] {strides = array<i32>} : memref<79x128xi32, #tpu.memory_space<vmem>>, vector<1x16xi32>,
      %swap3A_137 = vector.shape_cast %swap3A_136 : vector<1x16xi32> to vector<16xi32>
      %swap3A_138 = vector.shape_cast %add3A_133 : vector<16xi32> to vector<1x16xi32>
      tpu.vector_store %arg8[%swap3A_134, %swap3A_135], %swap3A_138 {strides = array<i32>} : memref<79x128xi32, #tpu.memory_space<vmem>>, vector<1x16xi32>,
      %get3A_139 = arith.index_cast %scan3A_21 : i32 to index
      %get3A_140 = arith.constant 112 : index
      %get3A_141 = tpu.vector_load %arg8[%get3A_139, %get3A_140] {strides = array<i32>} : memref<79x128xi32, #tpu.memory_space<vmem>>, vector<1x16xi32>,
      %get3A_142 = vector.shape_cast %get3A_141 : vector<1x16xi32> to vector<16xi32>
      %get3A_143 = arith.index_cast %scan3A_21 : i32 to index
      %get3A_144 = arith.constant 112 : index
      %get3A_145 = tpu.vector_load %arg9[%get3A_143, %get3A_144] {strides = array<i32>} : memref<79x128xi32, #tpu.memory_space<vmem>>, vector<1x16xi32>,
      %get3A_146 = vector.shape_cast %get3A_145 : vector<1x16xi32> to vector<16xi32>
      %mul3A_147 = arith.constant 8 : i32
      %mul3A_148 = vector.broadcast %mul3A_147 : i32 to vector<16xi32>
      %mul3A_149 = arith.muli %get3A_142, %mul3A_148 : vector<16xi32>
      %add3A_150 = arith.addi %mul3A_149, %get3A_146 : vector<16xi32>
      %swap3A_151 = arith.index_cast %scan3A_21 : i32 to index
      %swap3A_152 = arith.constant 112 : index
      %swap3A_153 = tpu.vector_load %arg8[%swap3A_151, %swap3A_152] {strides = array<i32>} : memref<79x128xi32, #tpu.memory_space<vmem>>, vector<1x16xi32>,
      %swap3A_154 = vector.shape_cast %swap3A_153 : vector<1x16xi32> to vector<16xi32>
      %swap3A_155 = vector.shape_cast %add3A_150 : vector<16xi32> to vector<1x16xi32>
      tpu.vector_store %arg8[%swap3A_151, %swap3A_152], %swap3A_155 {strides = array<i32>} : memref<79x128xi32, #tpu.memory_space<vmem>>, vector<1x16xi32>,
    }
    %scan3A_9 = arith.constant 79 : i32
    %barrier3A = arith.constant 0 : index
    tpu.barrier barrier_id(%barrier3A)
    %scan3A_10 = arith.constant 0 : i32
    %scan3A_11 = arith.constant 0 : i32
    %scan3A_12 = arith.constant 79 : i32
    %scan3A_13 = arith.addi %scan3A_11, %scan3A_12 : i32
    %scan3A_14 = arith.constant 1 : i32
    scf.for %scan3A_21 = %scan3A_11 to %scan3A_13 step %scan3A_14  : i32 {
      %dma_start3A = arith.constant 0 : i32
      %dma_start3A_22 = tpu.memref_slice %arg8[%scan3A_21, %dma_start3A] : memref<79x128xi32, #tpu.memory_space<vmem>> -> memref<1x128xi32, #tpu.memory_space<vmem>>
      %dma_start3A_23 = tpu.memref_squeeze %dma_start3A_22 : memref<1x128xi32, #tpu.memory_space<vmem>> -> memref<128xi32, #tpu.memory_space<vmem>>
      %dma_start3A_24 = arith.constant 0 : i32
      %dma_start3A_25 = arith.constant 0 : i32
      %dma_start3A_26 = tpu.memref_slice %arg2[%dma_start3A_24, %dma_start3A_25] : memref<80000x32xf32, #tpu.memory_space<hbm>> -> memref<80000x32xf32, #tpu.memory_space<hbm>>
      tpu.enqueue_indirect_dma source(%dma_start3A_26 : memref<80000x32xf32, #tpu.memory_space<hbm>>) target(%arg11 : memref<128x32xf32, #tpu.memory_space<vmem>>) offsets(%dma_start3A_23 : memref<128xi32, #tpu.memory_space<vmem>>) semaphore(%arg13 : memref<!tpu.dma_semaphore, #tpu.memory_space<semaphore_mem>>)
      %dma_wait3A = arith.constant 0 : i32
      %dma_wait3A_27 = tpu.memref_slice %arg8[%scan3A_21, %dma_wait3A] : memref<79x128xi32, #tpu.memory_space<vmem>> -> memref<1x128xi32, #tpu.memory_space<vmem>>
      %dma_wait3A_28 = tpu.memref_squeeze %dma_wait3A_27 : memref<1x128xi32, #tpu.memory_space<vmem>> -> memref<128xi32, #tpu.memory_space<vmem>>
      %dma_wait3A_29 = arith.constant 0 : i32
      %dma_wait3A_30 = arith.constant 0 : i32
      %dma_wait3A_31 = tpu.memref_slice %arg2[%dma_wait3A_29, %dma_wait3A_30] : memref<80000x32xf32, #tpu.memory_space<hbm>> -> memref<80000x32xf32, #tpu.memory_space<hbm>>
      tpu.wait_indirect_dma semaphore(%arg13 : memref<!tpu.dma_semaphore, #tpu.memory_space<semaphore_mem>>) src(%dma_wait3A_31 : memref<80000x32xf32, #tpu.memory_space<hbm>>) dst(%arg11 : memref<128x32xf32, #tpu.memory_space<vmem>>)
      "tpu.region"() ({
        %run_scoped3A = tpu.sem_alloc : memref<!tpu.dma_semaphore, #tpu.memory_space<semaphore_mem>>
        %dma_start3A_32 = arith.constant 0 : i32
        %dma_start3A_33 = tpu.memref_slice %arg10[%scan3A_21, %dma_start3A_32] : memref<79x128xi32, #tpu.memory_space<vmem>> -> memref<1x128xi32, #tpu.memory_space<vmem>>
        %dma_start3A_34 = tpu.memref_squeeze %dma_start3A_33 : memref<1x128xi32, #tpu.memory_space<vmem>> -> memref<128xi32, #tpu.memory_space<vmem>>
        %dma_start3A_35 = arith.constant 0 : i32
        %dma_start3A_36 = arith.constant 0 : i32
        %dma_start3A_37 = tpu.memref_slice %arg12[%dma_start3A_35, %dma_start3A_36] : memref<10112x32xf32, #tpu.memory_space<vmem_shared>> -> memref<10112x32xf32, #tpu.memory_space<vmem_shared>>
        tpu.enqueue_indirect_dma source(%arg11 : memref<128x32xf32, #tpu.memory_space<vmem>>) target(%dma_start3A_37 : memref<10112x32xf32, #tpu.memory_space<vmem_shared>>) offsets(%dma_start3A_34 : memref<128xi32, #tpu.memory_space<vmem>>) semaphore(%run_scoped3A : memref<!tpu.dma_semaphore, #tpu.memory_space<semaphore_mem>>) {add = true}
        %dma_wait3A_38 = arith.constant 0 : i32
        %dma_wait3A_39 = tpu.memref_slice %arg10[%scan3A_21, %dma_wait3A_38] : memref<79x128xi32, #tpu.memory_space<vmem>> -> memref<1x128xi32, #tpu.memory_space<vmem>>
        %dma_wait3A_40 = tpu.memref_squeeze %dma_wait3A_39 : memref<1x128xi32, #tpu.memory_space<vmem>> -> memref<128xi32, #tpu.memory_space<vmem>>
        %dma_wait3A_41 = arith.constant 0 : i32
        %dma_wait3A_42 = arith.constant 0 : i32
        %dma_wait3A_43 = tpu.memref_slice %arg12[%dma_wait3A_41, %dma_wait3A_42] : memref<10112x32xf32, #tpu.memory_space<vmem_shared>> -> memref<10112x32xf32, #tpu.memory_space<vmem_shared>>
        tpu.wait_indirect_dma semaphore(%run_scoped3A : memref<!tpu.dma_semaphore, #tpu.memory_space<semaphore_mem>>) src(%arg11 : memref<128x32xf32, #tpu.memory_space<vmem>>) dst(%dma_wait3A_43 : memref<10112x32xf32, #tpu.memory_space<vmem_shared>>)
        tpu.yield
      }) : () -> ()
    }
    %scan3A_15 = arith.constant 79 : i32
    %barrier3A_16 = arith.constant 0 : index
    tpu.barrier barrier_id(%barrier3A_16)
    %mul3A_17 = arith.constant 632 : i32
    %mul3A_18 = arith.muli %arg1, %mul3A_17 : i32
    %mul3A_19 = arith.constant 632 : i32
    %mul3A_20 = arith.muli %arg1, %mul3A_19 : i32
    "tpu.region"() ({
      %run_scoped3A = tpu.sem_alloc : memref<!tpu.dma_semaphore, #tpu.memory_space<semaphore_mem>>
      %dma_start3A = arith.constant 0 : i32
      %dma_start3A_21 = tpu.memref_slice %arg7[%arg0, %mul3A_20, %dma_start3A] : memref<2x10112x32xf32, #tpu.memory_space<hbm>> -> memref<1x632x32xf32, #tpu.memory_space<hbm>>
      %dma_start3A_22 = tpu.memref_squeeze %dma_start3A_21 : memref<1x632x32xf32, #tpu.memory_space<hbm>> -> memref<632x32xf32, #tpu.memory_space<hbm>>
      %dma_start3A_23 = arith.constant 0 : i32
      %dma_start3A_24 = tpu.memref_slice %arg12[%mul3A_18, %dma_start3A_23] : memref<10112x32xf32, #tpu.memory_space<vmem_shared>> -> memref<632x32xf32, #tpu.memory_space<vmem_shared>>
      tpu.enqueue_dma source(%dma_start3A_24 : memref<632x32xf32, #tpu.memory_space<vmem_shared>>) target(%dma_start3A_22 : memref<632x32xf32, #tpu.memory_space<hbm>>) target_semaphore(%run_scoped3A : memref<!tpu.dma_semaphore, #tpu.memory_space<semaphore_mem>>)
      %dma_wait3A = arith.constant 0 : i32
      %dma_wait3A_25 = tpu.memref_slice %arg7[%arg0, %mul3A_20, %dma_wait3A] : memref<2x10112x32xf32, #tpu.memory_space<hbm>> -> memref<1x632x32xf32, #tpu.memory_space<hbm>>
      %dma_wait3A_26 = tpu.memref_squeeze %dma_wait3A_25 : memref<1x632x32xf32, #tpu.memory_space<hbm>> -> memref<632x32xf32, #tpu.memory_space<hbm>>
      %dma_wait3A_27 = arith.constant 0 : i32
      %dma_wait3A_28 = tpu.memref_slice %arg12[%mul3A_18, %dma_wait3A_27] : memref<10112x32xf32, #tpu.memory_space<vmem_shared>> -> memref<632x32xf32, #tpu.memory_space<vmem_shared>>
      tpu.wait_dma2 semaphore(%run_scoped3A : memref<!tpu.dma_semaphore, #tpu.memory_space<semaphore_mem>>) src(%dma_wait3A_28 : memref<632x32xf32, #tpu.memory_space<vmem_shared>>) dst(%dma_wait3A_26 : memref<632x32xf32, #tpu.memory_space<hbm>>)
      tpu.yield
    }) : () -> ()
    return
  }
}

module attributes {stable_mosaic.version = 14 : i64} {
  func.func @_proj_body(%arg0: i32, %arg1: memref<1000x128xf32, #tpu.memory_space<vmem>>, %arg2: memref<128x128xf32, #tpu.memory_space<vmem>>, %arg3: memref<128x256xf32, #tpu.memory_space<vmem>>, %arg4: memref<128x32xf32, #tpu.memory_space<vmem>>, %arg5: memref<1000x256xf32, #tpu.memory_space<vmem>>, %arg6: memref<1000x32xf32, #tpu.memory_space<vmem>>) attributes {dimension_semantics = [#tpu.dimension_semantics<arbitrary>], iteration_bounds = array<i64: 10>, scalar_prefetch = 0 : i64, scratch_operands = 0 : i64, tpu.core_type = #tpu.core_type<tc>, window_params = [{transform_indices = @transform_0, window_bounds = array<i64: 1000, 128>}, {pipeline_mode = #tpu.pipeline_mode<synchronous>, transform_indices = @transform_1, window_bounds = array<i64: 128, 128>}, {pipeline_mode = #tpu.pipeline_mode<synchronous>, transform_indices = @transform_2, window_bounds = array<i64: 128, 256>}, {pipeline_mode = #tpu.pipeline_mode<synchronous>, transform_indices = @transform_3, window_bounds = array<i64: 128, 32>}, {transform_indices = @transform_4, window_bounds = array<i64: 1000, 256>}, {transform_indices = @transform_5, window_bounds = array<i64: 1000, 32>}]} {
    %get3A = arith.constant 0 : index
    %get3A_0 = arith.constant 0 : index
    %get3A_1 = vector.load %arg1[%get3A, %get3A_0] : memref<1000x128xf32, #tpu.memory_space<vmem>>, vector<1000x128xf32>
    %get3A_2 = arith.constant 0 : index
    %get3A_3 = arith.constant 0 : index
    %get3A_4 = vector.load %arg2[%get3A_2, %get3A_3] : memref<128x128xf32, #tpu.memory_space<vmem>>, vector<128x128xf32>
    %dot_general3A = arith.constant dense<0.000000e+00> : vector<1000x128xf32>
    %dot_general3A_5 = tpu.matmul %get3A_1, %get3A_4, %dot_general3A {dimension_numbers = #tpu.dot_dimension_numbers<[1], [0], [0], [1], [0, 0, 1, 1], [], []>, transpose_lhs_hint = false} : vector<1000x128xf32>, vector<128x128xf32>, vector<1000x128xf32> -> vector<1000x128xf32>
    %get3A_6 = arith.constant 0 : index
    %get3A_7 = arith.constant 0 : index
    %get3A_8 = vector.load %arg3[%get3A_6, %get3A_7] : memref<128x256xf32, #tpu.memory_space<vmem>>, vector<128x256xf32>
    %dot_general3A_9 = arith.constant dense<0.000000e+00> : vector<1000x256xf32>
    %dot_general3A_10 = tpu.matmul %dot_general3A_5, %get3A_8, %dot_general3A_9 {dimension_numbers = #tpu.dot_dimension_numbers<[1], [0], [0], [1], [0, 0, 1, 1], [], []>, transpose_lhs_hint = false} : vector<1000x128xf32>, vector<128x256xf32>, vector<1000x256xf32> -> vector<1000x256xf32>
    %swap3A = arith.constant 0 : index
    %swap3A_11 = arith.constant 0 : index
    %swap3A_12 = vector.load %arg5[%swap3A, %swap3A_11] : memref<1000x256xf32, #tpu.memory_space<vmem>>, vector<1000x256xf32>
    tpu.vector_store %arg5[%swap3A, %swap3A_11], %dot_general3A_10 {strides = array<i32>} : memref<1000x256xf32, #tpu.memory_space<vmem>>, vector<1000x256xf32>,
    %get3A_13 = arith.constant 0 : index
    %get3A_14 = arith.constant 0 : index
    %get3A_15 = vector.load %arg4[%get3A_13, %get3A_14] : memref<128x32xf32, #tpu.memory_space<vmem>>, vector<128x32xf32>
    %dot_general3A_16 = arith.constant dense<0.000000e+00> : vector<1000x32xf32>
    %dot_general3A_17 = tpu.matmul %get3A_1, %get3A_15, %dot_general3A_16 {dimension_numbers = #tpu.dot_dimension_numbers<[1], [0], [0], [1], [0, 0, 1, 1], [], []>, transpose_lhs_hint = false} : vector<1000x128xf32>, vector<128x32xf32>, vector<1000x32xf32> -> vector<1000x32xf32>
    %swap3A_18 = arith.constant 0 : index
    %swap3A_19 = arith.constant 0 : index
    %swap3A_20 = vector.load %arg6[%swap3A_18, %swap3A_19] : memref<1000x32xf32, #tpu.memory_space<vmem>>, vector<1000x32xf32>
    tpu.vector_store %arg6[%swap3A_18, %swap3A_19], %dot_general3A_17 {strides = array<i32>} : memref<1000x32xf32, #tpu.memory_space<vmem>>, vector<1000x32xf32>,
    return
  }
  func.func @transform_0(%arg0: i32) -> (i32, i32) {
    %c0_i32 = arith.constant 0 : i32
    %c0_i32_0 = arith.constant 0 : i32
    return %arg0, %c0_i32 : i32, i32
  }
  func.func @transform_1(%arg0: i32) -> (i32, i32) {
    %c0_i32 = arith.constant 0 : i32
    %c0_i32_0 = arith.constant 0 : i32
    %c0_i32_1 = arith.constant 0 : i32
    return %c0_i32, %c0_i32_0 : i32, i32
  }
  func.func @transform_2(%arg0: i32) -> (i32, i32) {
    %c0_i32 = arith.constant 0 : i32
    %c0_i32_0 = arith.constant 0 : i32
    %c0_i32_1 = arith.constant 0 : i32
    return %c0_i32, %c0_i32_0 : i32, i32
  }
  func.func @transform_3(%arg0: i32) -> (i32, i32) {
    %c0_i32 = arith.constant 0 : i32
    %c0_i32_0 = arith.constant 0 : i32
    %c0_i32_1 = arith.constant 0 : i32
    return %c0_i32, %c0_i32_0 : i32, i32
  }
  func.func @transform_4(%arg0: i32) -> (i32, i32) {
    %c0_i32 = arith.constant 0 : i32
    %c0_i32_0 = arith.constant 0 : i32
    return %arg0, %c0_i32 : i32, i32
  }
  func.func @transform_5(%arg0: i32) -> (i32, i32) {
    %c0_i32 = arith.constant 0 : i32
    %c0_i32_0 = arith.constant 0 : i32
    return %arg0, %c0_i32 : i32, i32
  }
}

module attributes {stable_mosaic.version = 14 : i64} {
  func.func @_proj2_body(%arg0: i32, %arg1: memref<2x1000x32xf32, #tpu.memory_space<vmem>>, %arg2: memref<1000x32xf32, #tpu.memory_space<vmem>>, %arg3: memref<32x128xf32, #tpu.memory_space<vmem>>, %arg4: memref<128x256xf32, #tpu.memory_space<vmem>>, %arg5: memref<32x32xf32, #tpu.memory_space<vmem>>, %arg6: memref<1000x256xf32, #tpu.memory_space<vmem>>, %arg7: memref<1000x32xf32, #tpu.memory_space<vmem>>) attributes {dimension_semantics = [#tpu.dimension_semantics<arbitrary>], iteration_bounds = array<i64: 10>, scalar_prefetch = 0 : i64, scratch_operands = 0 : i64, tpu.core_type = #tpu.core_type<tc>, window_params = [{transform_indices = @transform_0, window_bounds = array<i64: 2, 1000, 32>}, {transform_indices = @transform_1, window_bounds = array<i64: 1000, 32>}, {pipeline_mode = #tpu.pipeline_mode<synchronous>, transform_indices = @transform_2, window_bounds = array<i64: 32, 128>}, {pipeline_mode = #tpu.pipeline_mode<synchronous>, transform_indices = @transform_3, window_bounds = array<i64: 128, 256>}, {pipeline_mode = #tpu.pipeline_mode<synchronous>, transform_indices = @transform_4, window_bounds = array<i64: 32, 32>}, {transform_indices = @transform_5, window_bounds = array<i64: 1000, 256>}, {transform_indices = @transform_6, window_bounds = array<i64: 1000, 32>}]} {
    %get3A = arith.constant 0 : index
    %get3A_0 = arith.constant 0 : index
    %get3A_1 = arith.constant 0 : index
    %get3A_2 = vector.load %arg1[%get3A, %get3A_0, %get3A_1] : memref<2x1000x32xf32, #tpu.memory_space<vmem>>, vector<1x1000x32xf32>
    %get3A_3 = vector.shape_cast %get3A_2 : vector<1x1000x32xf32> to vector<1000x32xf32>
    %get3A_4 = arith.constant 1 : index
    %get3A_5 = arith.constant 0 : index
    %get3A_6 = arith.constant 0 : index
    %get3A_7 = vector.load %arg1[%get3A_4, %get3A_5, %get3A_6] : memref<2x1000x32xf32, #tpu.memory_space<vmem>>, vector<1x1000x32xf32>
    %get3A_8 = vector.shape_cast %get3A_7 : vector<1x1000x32xf32> to vector<1000x32xf32>
    %add3A = arith.addf %get3A_3, %get3A_8 : vector<1000x32xf32>
    %get3A_9 = arith.constant 0 : index
    %get3A_10 = arith.constant 0 : index
    %get3A_11 = vector.load %arg2[%get3A_9, %get3A_10] : memref<1000x32xf32, #tpu.memory_space<vmem>>, vector<1000x32xf32>
    %add3A_12 = arith.addf %add3A, %get3A_11 : vector<1000x32xf32>
    %max3A = arith.constant 0.000000e+00 : f32
    %max3A_13 = vector.broadcast %max3A : f32 to vector<1000x32xf32>
    %max3A_14 = arith.maximumf %add3A_12, %max3A_13 : vector<1000x32xf32>
    %get3A_15 = arith.constant 0 : index
    %get3A_16 = arith.constant 0 : index
    %get3A_17 = vector.load %arg3[%get3A_15, %get3A_16] : memref<32x128xf32, #tpu.memory_space<vmem>>, vector<32x128xf32>
    %dot_general3A = arith.constant dense<0.000000e+00> : vector<1000x128xf32>
    %dot_general3A_18 = tpu.matmul %max3A_14, %get3A_17, %dot_general3A {dimension_numbers = #tpu.dot_dimension_numbers<[1], [0], [0], [1], [0, 0, 1, 1], [], []>, transpose_lhs_hint = false} : vector<1000x32xf32>, vector<32x128xf32>, vector<1000x128xf32> -> vector<1000x128xf32>
    %get3A_19 = arith.constant 0 : index
    %get3A_20 = arith.constant 0 : index
    %get3A_21 = vector.load %arg4[%get3A_19, %get3A_20] : memref<128x256xf32, #tpu.memory_space<vmem>>, vector<128x256xf32>
    %dot_general3A_22 = arith.constant dense<0.000000e+00> : vector<1000x256xf32>
    %dot_general3A_23 = tpu.matmul %dot_general3A_18, %get3A_21, %dot_general3A_22 {dimension_numbers = #tpu.dot_dimension_numbers<[1], [0], [0], [1], [0, 0, 1, 1], [], []>, transpose_lhs_hint = false} : vector<1000x128xf32>, vector<128x256xf32>, vector<1000x256xf32> -> vector<1000x256xf32>
    %swap3A = arith.constant 0 : index
    %swap3A_24 = arith.constant 0 : index
    %swap3A_25 = vector.load %arg6[%swap3A, %swap3A_24] : memref<1000x256xf32, #tpu.memory_space<vmem>>, vector<1000x256xf32>
    tpu.vector_store %arg6[%swap3A, %swap3A_24], %dot_general3A_23 {strides = array<i32>} : memref<1000x256xf32, #tpu.memory_space<vmem>>, vector<1000x256xf32>,
    %get3A_26 = arith.constant 0 : index
    %get3A_27 = arith.constant 0 : index
    %get3A_28 = vector.load %arg5[%get3A_26, %get3A_27] : memref<32x32xf32, #tpu.memory_space<vmem>>, vector<32x32xf32>
    %dot_general3A_29 = arith.constant dense<0.000000e+00> : vector<1000x32xf32>
    %dot_general3A_30 = tpu.matmul %max3A_14, %get3A_28, %dot_general3A_29 {dimension_numbers = #tpu.dot_dimension_numbers<[1], [0], [0], [1], [0, 0, 1, 1], [], []>, transpose_lhs_hint = false} : vector<1000x32xf32>, vector<32x32xf32>, vector<1000x32xf32> -> vector<1000x32xf32>
    %swap3A_31 = arith.constant 0 : index
    %swap3A_32 = arith.constant 0 : index
    %swap3A_33 = vector.load %arg7[%swap3A_31, %swap3A_32] : memref<1000x32xf32, #tpu.memory_space<vmem>>, vector<1000x32xf32>
    tpu.vector_store %arg7[%swap3A_31, %swap3A_32], %dot_general3A_30 {strides = array<i32>} : memref<1000x32xf32, #tpu.memory_space<vmem>>, vector<1000x32xf32>,
    return
  }
  func.func @transform_0(%arg0: i32) -> (i32, i32, i32) {
    %c0_i32 = arith.constant 0 : i32
    %c0_i32_0 = arith.constant 0 : i32
    %c0_i32_1 = arith.constant 0 : i32
    return %c0_i32, %arg0, %c0_i32_0 : i32, i32, i32
  }
  func.func @transform_1(%arg0: i32) -> (i32, i32) {
    %c0_i32 = arith.constant 0 : i32
    %c0_i32_0 = arith.constant 0 : i32
    return %arg0, %c0_i32 : i32, i32
  }
  func.func @transform_2(%arg0: i32) -> (i32, i32) {
    %c0_i32 = arith.constant 0 : i32
    %c0_i32_0 = arith.constant 0 : i32
    %c0_i32_1 = arith.constant 0 : i32
    return %c0_i32, %c0_i32_0 : i32, i32
  }
  func.func @transform_3(%arg0: i32) -> (i32, i32) {
    %c0_i32 = arith.constant 0 : i32
    %c0_i32_0 = arith.constant 0 : i32
    %c0_i32_1 = arith.constant 0 : i32
    return %c0_i32, %c0_i32_0 : i32, i32
  }
  func.func @transform_4(%arg0: i32) -> (i32, i32) {
    %c0_i32 = arith.constant 0 : i32
    %c0_i32_0 = arith.constant 0 : i32
    %c0_i32_1 = arith.constant 0 : i32
    return %c0_i32, %c0_i32_0 : i32, i32
  }
  func.func @transform_5(%arg0: i32) -> (i32, i32) {
    %c0_i32 = arith.constant 0 : i32
    %c0_i32_0 = arith.constant 0 : i32
    return %arg0, %c0_i32 : i32, i32
  }
  func.func @transform_6(%arg0: i32) -> (i32, i32) {
    %c0_i32 = arith.constant 0 : i32
    %c0_i32_0 = arith.constant 0 : i32
    return %arg0, %c0_i32 : i32, i32
  }
}

module attributes {stable_mosaic.version = 14 : i64} {
  func.func @_combine_body(%arg0: i32, %arg1: memref<2x1000x32xf32, #tpu.memory_space<vmem>>, %arg2: memref<1000x32xf32, #tpu.memory_space<vmem>>, %arg3: memref<1000x32xf32, #tpu.memory_space<vmem>>) attributes {dimension_semantics = [#tpu.dimension_semantics<arbitrary>], iteration_bounds = array<i64: 10>, scalar_prefetch = 0 : i64, scratch_operands = 0 : i64, tpu.core_type = #tpu.core_type<tc>, window_params = [{transform_indices = @transform_0, window_bounds = array<i64: 2, 1000, 32>}, {transform_indices = @transform_1, window_bounds = array<i64: 1000, 32>}, {transform_indices = @transform_2, window_bounds = array<i64: 1000, 32>}]} {
    %get3A = arith.constant 0 : index
    %get3A_0 = arith.constant 0 : index
    %get3A_1 = arith.constant 0 : index
    %get3A_2 = vector.load %arg1[%get3A, %get3A_0, %get3A_1] : memref<2x1000x32xf32, #tpu.memory_space<vmem>>, vector<1x1000x32xf32>
    %get3A_3 = vector.shape_cast %get3A_2 : vector<1x1000x32xf32> to vector<1000x32xf32>
    %get3A_4 = arith.constant 1 : index
    %get3A_5 = arith.constant 0 : index
    %get3A_6 = arith.constant 0 : index
    %get3A_7 = vector.load %arg1[%get3A_4, %get3A_5, %get3A_6] : memref<2x1000x32xf32, #tpu.memory_space<vmem>>, vector<1x1000x32xf32>
    %get3A_8 = vector.shape_cast %get3A_7 : vector<1x1000x32xf32> to vector<1000x32xf32>
    %add3A = arith.addf %get3A_3, %get3A_8 : vector<1000x32xf32>
    %get3A_9 = arith.constant 0 : index
    %get3A_10 = arith.constant 0 : index
    %get3A_11 = vector.load %arg2[%get3A_9, %get3A_10] : memref<1000x32xf32, #tpu.memory_space<vmem>>, vector<1000x32xf32>
    %add3A_12 = arith.addf %add3A, %get3A_11 : vector<1000x32xf32>
    %max3A = arith.constant 0.000000e+00 : f32
    %max3A_13 = vector.broadcast %max3A : f32 to vector<1000x32xf32>
    %max3A_14 = arith.maximumf %add3A_12, %max3A_13 : vector<1000x32xf32>
    %swap3A = arith.constant 0 : index
    %swap3A_15 = arith.constant 0 : index
    %swap3A_16 = vector.load %arg3[%swap3A, %swap3A_15] : memref<1000x32xf32, #tpu.memory_space<vmem>>, vector<1000x32xf32>
    tpu.vector_store %arg3[%swap3A, %swap3A_15], %max3A_14 {strides = array<i32>} : memref<1000x32xf32, #tpu.memory_space<vmem>>, vector<1000x32xf32>,
    return
  }
  func.func @transform_0(%arg0: i32) -> (i32, i32, i32) {
    %c0_i32 = arith.constant 0 : i32
    %c0_i32_0 = arith.constant 0 : i32
    %c0_i32_1 = arith.constant 0 : i32
    return %c0_i32, %arg0, %c0_i32_0 : i32, i32, i32
  }
  func.func @transform_1(%arg0: i32) -> (i32, i32) {
    %c0_i32 = arith.constant 0 : i32
    %c0_i32_0 = arith.constant 0 : i32
    return %arg0, %c0_i32 : i32, i32
  }
  func.func @transform_2(%arg0: i32) -> (i32, i32) {
    %c0_i32 = arith.constant 0 : i32
    %c0_i32_0 = arith.constant 0 : i32
    return %arg0, %c0_i32 : i32, i32
  }
}

</mosaic_0001>

<sc_bundles>
// kernel: kernel.10.cloned.1.call-start
scs
__scs_entry_jumppad:
0x0: {  	(pc) =	sbr.rel $0x88, $3  }
0x1: {  	(tag) =	ssettag $0x0;
	lr =	simm.s32 $0x1  }
0x2: {  	[smem:$0x3F98] =	sst lr;
	_ =	strace $0xD0000000  }
0x3: {  	_ = 	snop  }
0x4: {  	_ = 	snop  }
0x5: {  	_ = 	snop  }
0x6: {  	_ = 	snop  }
0x7: {  	_ = 	snop  }
__scs_overlays_trampoline_lowered:
0x8: {  	[smem:$0x3FA7] =	sst s0  }
0x9: {  	[smem:$0x3FA8] =	sst s1  }
0xa: {  	[smem:$0x3FA9] =	sst s2  }
0xb: {  	[smem:$0x3FAA] =	sst s3  }
0xc: {  	[smem:$0x3FAB] =	sst s4  }
0xd: {  	[smem:$0x3FAC] =	sst s5  }
0xe: {  	[smem:$0x3FAD] =	sst s6  }
0xf: {  	[smem:$0x3FAE] =	sst s7  }
0x10: {  	[smem:$0x3FAF] =	sst s8  }
0x11: {  	[smem:$0x3FB0] =	sst s9;
	s0 =	simm.s32 @!p0 $0x0  }
0x12: {  	s1 =	sld [smem:$0x3F96];
	s0 =	simm.s32 @p0 $0x1  }
0x13: {  	[smem:$0x3FB1] =	sst s0;
	s0 =	simm.s32 @!p1 $0x0  }
0x14: {  	s2 =	sld [smem:$0x3F95];
	s0 =	simm.s32 @p1 $0x1  }
0x15: {  	[smem:$0x3FB2] =	sst s0;
	s0 =	simm.s32 @!p2 $0x0  }
0x16: {  	s3 =	sld [smem:$0x3FDB];
	s0 =	simm.s32 @p2 $0x1  }
0x17: {  	s4 =	simm.s32 $0x1BF5;
	[smem:$0x3FB4] =	sst s0  }
0x18: {  	s0 =	sld [smem:$0x3F97];
	_ =	swait.ge [sflag:s4], $0x0  }
0x19: {  	s7 =	sld [smem:$0x3F98]  }
0x1a: {  	s8 =	sadd.s32 $0xFFFFE003, lr  }
0x1b: {  	s9 =	sadd.s32 $0xFFFFFEF7, lr;
	s5 =	simm.s32 $0xFFFFFFFF;
	p2 =	slt.u32 s8, $0xFFFFF086  }
0x1c: {  	p1 =	slt.u32 s9, $0xF7A;
	s5 =	simm.s32 @!p2 $0x0  }
0x1d: {  	s5 =	simm.s32 @p1 $0x1;
	p0 =	seq.s32 s7, s2  }
0x1e: {  	s7 =	smul.u32 @!p0 $0xF7A, s2;
	p2 =	seq.s32 @!p0 s5, $0x0  }
0x1f: {  	s9 =	smul.u32 $0xF7A, s1;
	s8 =	simm.s32 @!p0 $0x1BF5;
	p2 =	por !p2, p0  }
0x20: {  	[sflag:s8] =	ssyncset.s32 @!p0 $0xFFFFF086;
	s6 =	sadd.s32 @!p0 s3, s7;
	s7 =	simm.s32 @!p0 $0x108  }
0x21: {  	s3 =	sadd.s32 s3, s9;
	s6 =	sadd.s32 @!p0 $0x88, s6;
	s7 =	simm.s32 @p2 $0x1082  }
0x22: {  	[simem:s7], [sflag:s8] =	dma.local @!p0 [hbm:s6], $0xF7A  }
0x23: {  	s9 =	sor.u32 $0xD0000000, s2;
	s6 =	simm.s32 $0x108;
	_ =	swait.ge @!p0 [sflag:s8], $0x0  }
0x24: {  	s3 =	sadd.s32 $0x88, s3;
	s6 =	simm.s32 @!p1 $0x1082;
	[sflag:s4] =	ssyncset.s32 $0xFFFFF086  }
0x25: {  	[simem:s6], [sflag:s4] =	dma.local [hbm:s3], $0xF7A  }
0x26: {  	[smem:$0x3F98] =	sst s1;
	(tag) =	ssettag s2;
	_ =	strace s9  }
0x27: {  	s1 =	sld [smem:$0x3FA8]  }
0x28: {  	s2 =	sld [smem:$0x3FA9]  }
0x29: {  	s4 =	sld [smem:$0x3FAB]  }
0x2a: {  	p0 =	seq.s32 s5, $0x0;
	s5 =	sld [smem:$0x3FAC]  }
0x2b: {  	s6 =	sld [smem:$0x3FAD]  }
0x2c: {  	s7 =	sld [smem:$0x3FAE]  }
0x2d: {  	s3 =	simm.s32 $0x108;
	s8 =	sld [smem:$0x3FAF]  }
0x2e: {  	s3 =	simm.s32 @!p0 $0x1082;
	s9 =	sld [smem:$0x3FB0]  }
0x2f: {  	lr =	sadd.s32 s0, s3;
	s0 =	sld [smem:$0x3FA7]  }
0x30: {  	s3 =	sld [smem:$0x3FAA]  }
0x31: {  	[smem:$0x3FB3] =	sst s10  }
0x32: {  	s10 =	sld [smem:$0x3FB1];
	_ =	sdelay $0x3  }
0x33: {  	p0 =	seq.s32 s10, $0x1;
	s10 =	sld [smem:$0x3FB3];
	_ =	sdelay $0x3  }
0x34: {  	[smem:$0x3FB3] =	sst s10  }
0x35: {  	s10 =	sld [smem:$0x3FB2];
	_ =	sdelay $0x3  }
0x36: {  	p1 =	seq.s32 s10, $0x1;
	s10 =	sld [smem:$0x3FB3];
	_ =	sdelay $0x3  }
0x37: {  	[smem:$0x3FB3] =	sst s10  }
0x38: {  	s10 =	sld [smem:$0x3FB4]  }
0x39: {  	_ = 	snop;
	(pc) =	sbr.ind lr, $3  }
0x3a: {  	_ = 	snop  }
0x3b: {  	_ = 	snop  }
0x3c: {  	p2 =	seq.s32 s10, $0x1;
	s10 =	sld [smem:$0x3FB3]  }
0x3d: {  	_ =	shalt  }
0x3e: {  	_ =	shalt  }
0x3f: {  	_ =	shalt  }
0x40: {  	_ =	shalt  }
0x41: {  	_ =	shalt  }
0x42: {  	_ =	shalt  }
0x43: {  	_ =	shalt  }
0x44: {  	_ =	shalt  }
0x45: {  	_ =	shalt  }
0x46: {  	_ =	shalt  }
0x47: {  	_ =	shalt  }
0x48: {  	_ =	shalt  }
0x49: {  	_ =	shalt  }
0x4a: {  	_ =	shalt  }
0x4b: {  	_ =	shalt  }
0x4c: {  	_ =	shalt  }
0x4d: {  	_ =	shalt  }
0x4e: {  	_ =	shalt  }
0x4f: {  	_ =	shalt  }
0x50: {  	_ =	shalt  }
0x51: {  	_ =	shalt  }
0x52: {  	_ =	shalt  }
0x53: {  	_ =	shalt  }
0x54: {  	_ =	shalt  }
0x55: {  	_ =	shalt  }
0x56: {  	_ =	shalt  }
0x57: {  	_ =	shalt  }
0x58: {  	_ =	shalt  }
0x59: {  	_ =	shalt  }
0x5a: {  	_ =	shalt  }
0x5b: {  	_ =	shalt  }
0x5c: {  	_ =	shalt  }
0x5d: {  	_ =	shalt  }
0x5e: {  	_ =	shalt  }
0x5f: {  	_ =	shalt  }
0x60: {  	_ =	shalt  }
0x61: {  	_ =	shalt  }
0x62: {  	_ =	shalt  }
0x63: {  	_ =	shalt  }
0x64: {  	_ =	shalt  }
0x65: {  	_ =	shalt  }
0x66: {  	_ =	shalt  }
0x67: {  	_ =	shalt  }
0x68: {  	_ =	shalt  }
0x69: {  	_ =	shalt  }
0x6a: {  	_ =	shalt  }
0x6b: {  	_ =	shalt  }
0x6c: {  	_ =	shalt  }
0x6d: {  	_ =	shalt  }
0x6e: {  	_ =	shalt  }
0x6f: {  	_ =	shalt  }
0x70: {  	_ =	shalt  }
0x71: {  	_ =	shalt  }
0x72: {  	_ =	shalt  }
0x73: {  	_ =	shalt  }
0x74: {  	_ =	shalt  }
0x75: {  	_ =	shalt  }
0x76: {  	_ =	shalt  }
0x77: {  	_ =	shalt  }
0x78: {  	_ =	shalt  }
0x79: {  	_ =	shalt  }
0x7a: {  	_ =	shalt  }
0x7b: {  	_ =	shalt  }
0x7c: {  	_ =	shalt  }
0x7d: {  	_ =	shalt  }
0x7e: {  	_ =	shalt  }
0x7f: {  	_ =	shalt  }
0x80: {  	_ =	shalt  }
0x81: {  	_ =	shalt  }
0x82: {  	_ =	shalt  }
0x83: {  	_ =	shalt  }
0x84: {  	_ =	shalt  }
0x85: {  	_ =	shalt  }
0x86: {  	_ =	shalt  }
0x87: {  	_ =	shalt  }
.Lfunc_end0:
.L_simem_size_0:
called_computation.1_lowered:
.L_overlay_start_0:
0x88: {  	s2 =	sld [smem:$0x3FD9]  }
0x89: {  	s3 =	sld [smem:$0x3FFE];
	_ =	sdelay $0x1  }
0x8a: {  	s1 =	srdreg.scid  }
0x8b: {  	s0 =	sand.u32 $0x1, s1  }
0x8c: {  	s17 =	sshll.u32 s0, $0xA;
	s2 =	sadd.s32 s3, s2  }
0x8d: {  	s2 =	sadd.s32 s2, s17  }
0x8e: {  	[smem:$0x3FBF] =	sst s2  }
0x8f: {  	_ = 	snop  }
0x90: {  	s2 =	sld [smem:$0x3FD0];
	(tm) =	ssettm $0x1  }
0x91: {  	s18 =	sld [smem:$0x3FFB];
	_ =	sdelay $0x3  }
0x92: {  	_ =	strace s18  }
0x93: {  	s3 =	sld [smem:$0x3FFC];
	_ =	sdelay $0x3  }
0x94: {  	_ =	strace s3  }
0x95: {  	s3 =	sld [smem:$0x3FFD];
	_ =	sdelay $0x3  }
0x96: {  	_ =	strace s3  }
0x97: {  	_ =	strace $0x8FFFFFFF  }
0x98: {  	s19 =	sld [smem:$0x3FDB];
	_ =	sdelay $0x1  }
0x99: {  	s4 =	simm.s32 $_scs_section_size  }
0x9a: {  	s5 =	simm.s32 $_size__tile_overlayer_lowered;
	s6 =	simm.s32 $_tile_overlayer_lowered  }
0x9b: {  	s22 =	simm.s32 $0x1BFF;
	s21 =	sshll.u32 s6, $0x1;
	s3 =	sadd.s32 s4, s19  }
0x9c: {  	s7 =	simm.s32 $0x0;
	s20 =	sshll.u32 s5, $0x1;
	s5 =	sadd.s32 s21, s3  }
0x9d: {  	[timem:s7], [sflag:s22] =	dma.local [hbm:s5], s20  }
0x9e: {  	_ =	swait.ge [sflag:s22], s20  }
0x9f: {  	s4 =	ssub.s32 $0x0, s20;
	[sflag:s22] =	ssyncset.done $0x0  }
0xa0: {  	[sflag:s22] =	ssyncadd.s32 s4;
	_ =	sdelay $0x1  }
0xa1: {  	s23 =	simm.s32 $0x1B8B  }
0xa2: {  	_ =	swait.ge [sflag:s23], $0x1  }
0xa3: {  	[sflag:s23] =	ssyncset.done $0x0  }
0xa4: {  	s25 =	simm.s32 $0x1B8E;
	s24 =	sld [smem:$0x3FFE];
	[sflag:s23] =	ssyncadd.s32 $0xFFFFFFFF  }
0xa5: {  	s26 =	simm.s32 $execute0_lowered;
	[smem:$0x3FD2] =	sst s25  }
0xa6: {  	s5 =	sshll.u32 s26, $0x1;
	_ =	strace $0x80000049;
	[dreg:$0x1] =	wrdreg $0xFFFFFFFF  }
0xa7: {  	s28 =	simm.s32 $_size_execute0_lowered;
	s3 =	sadd.s32 s3, s5;
	[dreg:$0x0] =	wrdreg $0x0  }
0xa8: {  	s5 =	sshll.u32 s28, $0x1;
	[dreg:$0x2] =	wrdreg s3  }
0xa9: {  	[dreg:$0x3] =	wrdreg s5  }
0xaa: {  	[dreg:$0x4] =	wrdreg $0xC0  }
0xab: {  	_ =	task [dreg:s7], $0x5FFFF  }
0xac: {  	[dreg:$0x1] =	wrdreg $0xFFFFFFFF  }
0xad: {  	[dreg:$0x0] =	wrdreg $0x60  }
0xae: {  	[dreg:$0x2] =	wrdreg s24  }
0xaf: {  	[dreg:$0x3] =	wrdreg s2  }
0xb0: {  	[dreg:$0x4] =	wrdreg $0x86800  }
0xb1: {  	[dreg:$0x5] =	wrdreg $0x9  }
0xb2: {  	_ =	task.clear_ibuf [dreg:s7], $0x6FFFF;
	_ =	strace $0x90000049  }
0xb3: {  	s29 =	simm.s32 $0x9;
	_ =	strace $0x8000004B  }
0xb4: {  	_ =	swait.ge [sflag:s29], $0x1  }
0xb5: {  	[sflag:s29] =	ssyncadd.s32 $0xFFFFFFFF  }
0xb6: {  	_ =	strace $0x9000004B  }
0xb7: {  	_ =	sfence  }
0xb8: {  	s30 =	sld [smem:$0x0];
	_ =	sdelay $0x2  }
0xb9: {  	s31 =	sshll.u32 s1, $0xD;
	s1 =	sshrl.u32 s1, $0x2  }
0xba: {  	s3 =	sand.u32 $0x4000, s31;
	s1 =	sadd.s32 s1, s30  }
0xbb: {  	s0 =	sor.u32 s3, s0;
	s1 =	sshll.u32 s1, $0x11  }
0xbc: {  	s0 =	sor.u32 s1, s0  }
0xbd: {  	s0 =	sadd.s32 $0x8F2B, s0  }
0xbe: {  	[sflag:s0] =	ssyncadd.remote.s32 $0x1  }
0xbf: {  	_ =	sfence.sel $0xFFFF  }
0xc0: {  	[dreg:$0x0] =	wrdreg $0xFFFFFFFF;
	(pc) =	sbr.abs _section_cstart, $3  }
0xc1: {  	[dreg:$0x1] =	wrdreg $0xFFFFFFFF  }
0xc2: {  	_ =	task.clear_ibuf [dreg:s7], $0x2FFFF;
	_ =	strace $0x9FFFFFFF  }
0xc3: {  	(tm) =	ssettm $0x7FFFFFFF  }
tec
execute0_lowered:
.L_overlay_start_1:
0x0: {  	(tag) =	ssettag $0x1  }
0x1: {  	s5 =	rddreg [dreg:$0x0]  }
0x2: {  	s1 =	srdreg.scid;
	s7 =	rddreg [dreg:$0x1]  }
0x3: {  	s0 =	stileid.u32;
	s2 =	rddreg [dreg:$0x2];
	s3 =	simm.s32 $0x0  }
0x4: {  	s16 =	simm.s32 $0x80;
	s17 =	simm.s32 $0x7680;
	s18 =	simm.s32 $0x1  }
0x5: {  	s19 =	simm.s32 $0x0;
	s6 =	sand.u32 $0x1, s1;
	s30 =	sshll.u32 s0, $0x1  }
0x6: {  	s9 =	smul.u32 $0x4F00, s0;
	[smem:$0x7FF] =	sst s3;
	s4 =	sadd.s32 $0xB200, s5  }
0x7: {  	s14 =	sshll.u32 s0, $0x6;
	s1 =	sor.u32 s6, s30;
	s10 =	smul.u32 $0x4F000, s6  }
0x8: {  	s6 =	ssub.s32 $0x2, s6;
	s14 =	sor.u32 $0x1C02, s14;
	s8 =	smul.u32 $0x4F0, s1  }
0x9: {  	s1 =	rddreg [dreg:$0x3];
	_ =	strace $0x8000004A;
	s12 =	sshrl.u32 s9, $0x3  }
0xa: {  	s31 =	sshrl.u32 s6, $0x1;
	s15 =	sadd.s32 s9, s2;
	s10 =	sadd.s32 s9, s10  }
0xb: {  	s12 =	sadd.s32 s12, s5;
	s13 =	ssub.s32 s6, s31;
	s10 =	sshrl.u32 s10, $0x3  }
0xc: {  	s15 =	sshrl.u32 s15, $0x3;
	s11 =	sadd.s32 s8, s5;
	s10 =	sadd.s32 s10, s5  }
0xd: {  	s5 =	sadd.s32 s7, s8;
	s6 =	sadd.s32 $0x1400, s11;
	s7 =	sadd.s32 $0x59400, s11  }
0xe: {  	s8 =	sadd.s32 $0x63200, s12;
	s11 =	simm.s32 $0x2;
	s12 =	simm.s32 $0x2780  }
0xf: {  	s9 =	sadd.s32 $0x6D000, s10;
	s10 =	smax.u32 s13, $0x1;
	s13 =	simm.s32 $0x4F00  }
.LBB2_1:
0x10: {  	[tilespmem:s3], [sflag:$0x2] =	stream.linear.gather [hbm4b:s5+s3], $0x2780, $0x38;
	[tilespmem:$0xD580] =	vst v63  }
0x11: {  	_ =	swait.ge [sflag:s11], $0x2780  }
0x12: {  	[sflag:s11] =	ssyncset.done $0x0  }
0x13: {  	[sflag:s11] =	ssyncadd.s32 $0xFFFFD880  }
0x14: {  	[tilespmem:s12], [sflag:$0x2] =	stream.linear.gather [hbm4b:s6+s3], $0x2780, $0x38;
	[tilespmem:$0xD580] =	vst v63  }
0x15: {  	_ =	swait.ge [sflag:s11], $0x2780  }
0x16: {  	[sflag:s11] =	ssyncset.done $0x0  }
0x17: {  	[sflag:s11] =	ssyncadd.s32 $0xFFFFD880  }
0x18: {  	[tilespmem:s13], [sflag:$0x2] =	stream.linear.gather [hbm4b:s7+s3], $0x2780, $0x38;
	[tilespmem:$0xD580] =	vst v63  }
0x19: {  	_ =	swait.ge [sflag:s11], $0x2780  }
0x1a: {  	[sflag:s11] =	ssyncset.done $0x0  }
0x1b: {  	[sflag:s11] =	ssyncadd.s32 $0xFFFFD880  }
0x1c: {  	[spmem:s15], [sflag:s14] =	dma.local [hbm:s8], $0x9E0  }
0x1d: {  	_ =	swait.ge [sflag:s11], $0x9E0  }
0x1e: {  	[sflag:s11] =	ssyncset.done $0x0  }
0x1f: {  	s20 =	simm.s32 $0x0;
	[sflag:s11] =	ssyncadd.s32 $0xFFFFF620  }
0x20: {  	v6 =	vld [tilespmem:s20+$0x2780]  }
0x21: {  	v5 =	vld [tilespmem:s20+$0x2790]  }
0x22: {  	v4 =	vld [tilespmem:s20+$0x27A0]  }
0x23: {  	v3 =	vld [tilespmem:s20+$0x27B0]  }
0x24: {  	v2 =	vld [tilespmem:s20+$0x27C0]  }
0x25: {  	v1 =	vld [tilespmem:s20+$0x27D0]  }
0x26: {  	v0 =	vld [tilespmem:s20+$0x27E0]  }
0x27: {  	v7 =	vld [tilespmem:s20+$0x0]  }
0x28: {  	v12 =	vld [tilespmem:s20+$0x10]  }
0x29: {  	v10 =	vld [tilespmem:s20+$0x20]  }
0x2a: {  	v9 =	vld [tilespmem:s20+$0x30]  }
0x2b: {  	v8 =	vld [tilespmem:s20+$0x40]  }
0x2c: {  	v11 =	vshll.u32 v7, $0x3;
	v7 =	vld [tilespmem:s20+$0x50]  }
0x2d: {  	s21 =	simm.s32 $0x200;
	v12 =	vshll.u32 v12, $0x3;
	v11 =	vadd.s32 v6, v11;
	v6 =	vld [tilespmem:s20+$0x60]  }
.LBB2_2:
0x2e: {  	p0 =	sne.s32 s21, $0x9C00;
	[tilespmem:s20+$0x0] =	vst v11;
	v5 =	vadd.s32 v5, v12;
	v10 =	vshll.u32 v10, $0x3;
	v11 =	vld [tilespmem:s20+$0x70]  }
0x2f: {  	s22 =	sshra.s32 s21, $0x2;
	[tilespmem:s20+$0x10] =	vst v5;
	v4 =	vadd.s32 v4, v10;
	v5 =	vshll.u32 v9, $0x3;
	v9 =	vld [tilespmem:s20+$0x27F0]  }
0x30: {  	v12 =	vld [tilespmem:s22+$0x2780];
	[tilespmem:s20+$0x20] =	vst v4;
	v3 =	vadd.s32 v3, v5;
	v4 =	vshll.u32 v8, $0x3  }
0x31: {  	v5 =	vld [tilespmem:s22+$0x2790];
	[tilespmem:s20+$0x30] =	vst v3;
	v2 =	vadd.s32 v2, v4;
	v3 =	vshll.u32 v7, $0x3  }
0x32: {  	v4 =	vld [tilespmem:s22+$0x27A0];
	[tilespmem:s20+$0x40] =	vst v2;
	v1 =	vadd.s32 v1, v3;
	v2 =	vshll.u32 v6, $0x3  }
0x33: {  	v3 =	vld [tilespmem:s22+$0x27B0];
	[tilespmem:s20+$0x50] =	vst v1;
	v0 =	vadd.s32 v0, v2;
	v1 =	vshll.u32 v11, $0x3  }
0x34: {  	v2 =	vld [tilespmem:s22+$0x27C0];
	[tilespmem:s20+$0x60] =	vst v0;
	v0 =	vadd.s32 v9, v1  }
0x35: {  	v1 =	vld [tilespmem:s22+$0x27D0];
	[tilespmem:s20+$0x70] =	vst v0;
	s20 =	smov.u32 s22  }
0x36: {  	v0 =	vld [tilespmem:s20+$0x27E0]  }
0x37: {  	v6 =	vld [tilespmem:s20+$0x0]  }
0x38: {  	v13 =	vld [tilespmem:s20+$0x10]  }
.Ltmp0:
0x39: {  	v10 =	vld [tilespmem:s20+$0x20];
	(pc) =	sbr.rel @p0 .LBB2_2-.Ltmp0, $4  }
0x3a: {  	v9 =	vld [tilespmem:s20+$0x30]  }
0x3b: {  	v8 =	vld [tilespmem:s20+$0x40]  }
0x3c: {  	v6 =	vshll.u32 v6, $0x3;
	v7 =	vld [tilespmem:s20+$0x50]  }
0x3d: {  	s21 =	sadd.s32 $0x200, s21;
	v11 =	vadd.s32 v12, v6;
	v12 =	vshll.u32 v13, $0x3;
	v6 =	vld [tilespmem:s20+$0x60]  }
0x3e: {  	[tilespmem:s20+$0x0] =	vst v11;
	v5 =	vadd.s32 v5, v12;
	v56 =	vld [tilespmem:s20+$0x70];
	v10 =	vshll.u32 v10, $0x3  }
0x3f: {  	v58 =	vld [tilespmem:s20+$0x27F0];
	[tilespmem:s20+$0x10] =	vst v5;
	v4 =	vadd.s32 v4, v10;
	v57 =	vshll.u32 v9, $0x3  }
0x40: {  	[tilespmem:s20+$0x20] =	vst v4;
	v3 =	vadd.s32 v3, v57;
	v59 =	vshll.u32 v8, $0x3  }
0x41: {  	[tilespmem:s20+$0x30] =	vst v3;
	v2 =	vadd.s32 v2, v59;
	v60 =	vshll.u32 v7, $0x3  }
0x42: {  	[tilespmem:s20+$0x40] =	vst v2;
	v1 =	vadd.s32 v1, v60;
	v61 =	vshll.u32 v6, $0x3  }
0x43: {  	[tilespmem:s20+$0x50] =	vst v1;
	v0 =	vadd.s32 v0, v61;
	v62 =	vshll.u32 v56, $0x3  }
0x44: {  	[tilespmem:s20+$0x60] =	vst v0;
	v63 =	vadd.s32 v58, v62  }
0x45: {  	[tilespmem:s20+$0x70] =	vst v63  }
0x46: {  	s30 =	simm.s32 $0x0;
	[bflag:$0x0] =	sbarrier.arrive $0xFFFF  }
0x47: {  	[tilespmem:s17], [sflag:$0x1] =	stream.indirect.gather [hbm4b:s4+s16], $0x20, s30, s16, $0xb8;
	[tilespmem:$0xD580] =	vst v63  }
0x48: {  	_ =	swait.ge [sflag:s18], $0x1000  }
0x49: {  	[sflag:s18] =	ssyncset.done $0x0  }
0x4a: {  	s31 =	simm.s32 $0x4F00;
	[sflag:s18] =	ssyncadd.s32 $0xFFFFF000  }
0x4b: {  	[spmem:s2] =	stream.indirect.scatter.add.f32 [tilespmem:s17], [sflag:$0x2], $0x20, s31, s16, $0xb8;
	[tilespmem:$0xD580] =	vst v63  }
0x4c: {  	_ =	swait.ge [sflag:s11], $0x1000  }
0x4d: {  	s21 =	simm.s32 $0x400;
	s20 =	simm.s32 $0x200;
	[sflag:s11] =	ssyncset.done $0x0  }
.LBB2_4:
0x4e: {  	s22 =	sshra.s32 s20, $0x2  }
0x4f: {  	[sflag:s11] =	ssyncadd.s32 $0xFFFFF000;
	s20 =	smov.u32 s21;
	s23 =	sadd.s32 $0x200, s21  }
0x50: {  	[tilespmem:s17], [sflag:$0x1] =	stream.indirect.gather [hbm4b:s4+s16], $0x20, s22, s16, $0xb8;
	[tilespmem:$0xD580] =	vst v63  }
0x51: {  	p0 =	sne.s32 s21, $0x9C00;
	_ =	swait.ge [sflag:s18], $0x1000  }
.Ltmp1:
0x52: {  	[sflag:s18] =	ssyncset.done $0x0;
	(pc) =	sbr.rel @p0 .LBB2_4-.Ltmp1, $4  }
0x53: {  	s21 =	sadd.s32 $0x4F00, s22;
	[sflag:s18] =	ssyncadd.s32 $0xFFFFF000  }
0x54: {  	[spmem:s2] =	stream.indirect.scatter.add.f32 [tilespmem:s17], [sflag:$0x2], $0x20, s21, s16, $0xb8;
	[tilespmem:$0xD580] =	vst v63  }
0x55: {  	_ =	swait.ge [sflag:s11], $0x1000  }
0x56: {  	s21 =	smov.u32 s23;
	[sflag:s11] =	ssyncset.done $0x0  }
0x57: {  	s20 =	sshra.s32 s20, $0x2;
	[sflag:s11] =	ssyncadd.s32 $0xFFFFF000  }
0x58: {  	[tilespmem:s17], [sflag:$0x1] =	stream.indirect.gather [hbm4b:s4+s16], $0x20, s20, s16, $0xb8;
	[tilespmem:$0xD580] =	vst v63  }
0x59: {  	_ =	swait.ge [sflag:s18], $0x1000  }
0x5a: {  	[sflag:s18] =	ssyncset.done $0x0  }
0x5b: {  	s20 =	sadd.s32 $0x4F00, s20;
	[sflag:s18] =	ssyncadd.s32 $0xFFFFF000  }
0x5c: {  	[spmem:s2] =	stream.indirect.scatter.add.f32 [tilespmem:s17], [sflag:$0x2], $0x20, s20, s16, $0xb8;
	[tilespmem:$0xD580] =	vst v63  }
0x5d: {  	_ =	swait.ge [sflag:s11], $0x1000  }
0x5e: {  	s19 =	sadd.s32 $0x1, s19;
	[sflag:s11] =	ssyncset.done $0x0  }
0x5f: {  	p0 =	sne.s32 s19, s10;
	[sflag:s11] =	ssyncadd.s32 $0xFFFFF000  }
.Ltmp2:
0x60: {  	[bflag:$0x0] =	sbarrier.arrive $0xFFFF;
	(pc) =	sbr.rel @p0 .LBB2_1-.Ltmp2, $4  }
0x61: {  	[hbm:s9], [sflag:s14] =	dma.local [spmem:s15], $0x9E0  }
0x62: {  	_ =	swait.ge [sflag:s11], $0x9E0  }
0x63: {  	[sflag:s11] =	ssyncset.done $0x0  }
0x64: {  	[sflag:s11] =	ssyncadd.s32 $0xFFFFF620  }
0x65: {  	_ =	sfence.sel $0x180000  }
0x66: {  	[bflag:$0x0] =	sbarrier.arrive $0xFFFF  }
0x67: {  	p0 =	sne.s32 s0, $0x0;
	_ =	strace $0x9000004A  }
0x68: {  	s0 =	sadd.s32 @!p0 $0x100000, s1;
	[bflag:$0x2] =	sbarrier.arrive $0xFFFF  }
0x69: {  	[sflag:s0] =	ssyncadd.tile.s32 @!p0 $0x1;
	_ =	shalt  }
.Lfunc_end2:
_tile_overlayer_lowered:
.L_overlay_start_2:
0x6a: {  	(tag) =	ssettag $0x2  }
0x6b: {  	s0 =	rddreg [dreg:$0x0];
	s2 =	stileid.u32  }
0x6c: {  	s1 =	rddreg [dreg:$0x1];
	p0 =	sne.s32 s2, $0x0  }
0x6d: {  	s3 =	rddreg [dreg:$0x2];
	[bflag:$0x3] =	sbarrier.arrive $0xFFFF;
	s2 =	simm.s32 @!p0 $0x1C02  }
0x6e: {  	[timem:s3], [sflag:s2] =	dma.local @!p0 [hbm:s0], s1  }
0x6f: {  	s0 =	simm.s32 @!p0 $0x2  }
0x70: {  	_ =	swait.ge @!p0 [sflag:s0], s1  }
0x71: {  	s1 =	ssub.s32 @!p0 $0x0, s1;
	[sflag:s0] =	ssyncset.done @!p0 $0x0  }
0x72: {  	[sflag:s0] =	ssyncadd.s32 @!p0 s1  }
0x73: {  	[bflag:$0x3] =	sbarrier.arrive $0xFFFF  }
0x74: {  	_ =	shalt  }

// kernel: kernel.7.cloned.1.call-start
scs
__scs_entry_jumppad:
0x0: {  	(pc) =	sbr.rel $0x88, $3  }
0x1: {  	(tag) =	ssettag $0x0;
	lr =	simm.s32 $0x1  }
0x2: {  	[smem:$0x3F98] =	sst lr;
	_ =	strace $0xD0000000  }
0x3: {  	_ = 	snop  }
0x4: {  	_ = 	snop  }
0x5: {  	_ = 	snop  }
0x6: {  	_ = 	snop  }
0x7: {  	_ = 	snop  }
__scs_overlays_trampoline_lowered:
0x8: {  	[smem:$0x3FA7] =	sst s0  }
0x9: {  	[smem:$0x3FA8] =	sst s1  }
0xa: {  	[smem:$0x3FA9] =	sst s2  }
0xb: {  	[smem:$0x3FAA] =	sst s3  }
0xc: {  	[smem:$0x3FAB] =	sst s4  }
0xd: {  	[smem:$0x3FAC] =	sst s5  }
0xe: {  	[smem:$0x3FAD] =	sst s6  }
0xf: {  	[smem:$0x3FAE] =	sst s7  }
0x10: {  	[smem:$0x3FAF] =	sst s8  }
0x11: {  	[smem:$0x3FB0] =	sst s9;
	s0 =	simm.s32 @!p0 $0x0  }
0x12: {  	s1 =	sld [smem:$0x3F96];
	s0 =	simm.s32 @p0 $0x1  }
0x13: {  	[smem:$0x3FB1] =	sst s0;
	s0 =	simm.s32 @!p1 $0x0  }
0x14: {  	s2 =	sld [smem:$0x3F95];
	s0 =	simm.s32 @p1 $0x1  }
0x15: {  	[smem:$0x3FB2] =	sst s0;
	s0 =	simm.s32 @!p2 $0x0  }
0x16: {  	s3 =	sld [smem:$0x3FDB];
	s0 =	simm.s32 @p2 $0x1  }
0x17: {  	s4 =	simm.s32 $0x1BF5;
	[smem:$0x3FB4] =	sst s0  }
0x18: {  	s0 =	sld [smem:$0x3F97];
	_ =	swait.ge [sflag:s4], $0x0  }
0x19: {  	s7 =	sld [smem:$0x3F98]  }
0x1a: {  	s8 =	sadd.s32 $0xFFFFE003, lr  }
0x1b: {  	s9 =	sadd.s32 $0xFFFFFEF7, lr;
	s5 =	simm.s32 $0xFFFFFFFF;
	p2 =	slt.u32 s8, $0xFFFFF086  }
0x1c: {  	p1 =	slt.u32 s9, $0xF7A;
	s5 =	simm.s32 @!p2 $0x0  }
0x1d: {  	s5 =	simm.s32 @p1 $0x1;
	p0 =	seq.s32 s7, s2  }
0x1e: {  	s7 =	smul.u32 @!p0 $0xF7A, s2;
	p2 =	seq.s32 @!p0 s5, $0x0  }
0x1f: {  	s9 =	smul.u32 $0xF7A, s1;
	s8 =	simm.s32 @!p0 $0x1BF5;
	p2 =	por !p2, p0  }
0x20: {  	[sflag:s8] =	ssyncset.s32 @!p0 $0xFFFFF086;
	s6 =	sadd.s32 @!p0 s3, s7;
	s7 =	simm.s32 @!p0 $0x108  }
0x21: {  	s3 =	sadd.s32 s3, s9;
	s6 =	sadd.s32 @!p0 $0x88, s6;
	s7 =	simm.s32 @p2 $0x1082  }
0x22: {  	[simem:s7], [sflag:s8] =	dma.local @!p0 [hbm:s6], $0xF7A  }
0x23: {  	s9 =	sor.u32 $0xD0000000, s2;
	s6 =	simm.s32 $0x108;
	_ =	swait.ge @!p0 [sflag:s8], $0x0  }
0x24: {  	s3 =	sadd.s32 $0x88, s3;
	s6 =	simm.s32 @!p1 $0x1082;
	[sflag:s4] =	ssyncset.s32 $0xFFFFF086  }
0x25: {  	[simem:s6], [sflag:s4] =	dma.local [hbm:s3], $0xF7A  }
0x26: {  	[smem:$0x3F98] =	sst s1;
	(tag) =	ssettag s2;
	_ =	strace s9  }
0x27: {  	s1 =	sld [smem:$0x3FA8]  }
0x28: {  	s2 =	sld [smem:$0x3FA9]  }
0x29: {  	s4 =	sld [smem:$0x3FAB]  }
0x2a: {  	p0 =	seq.s32 s5, $0x0;
	s5 =	sld [smem:$0x3FAC]  }
0x2b: {  	s6 =	sld [smem:$0x3FAD]  }
0x2c: {  	s7 =	sld [smem:$0x3FAE]  }
0x2d: {  	s3 =	simm.s32 $0x108;
	s8 =	sld [smem:$0x3FAF]  }
0x2e: {  	s3 =	simm.s32 @!p0 $0x1082;
	s9 =	sld [smem:$0x3FB0]  }
0x2f: {  	lr =	sadd.s32 s0, s3;
	s0 =	sld [smem:$0x3FA7]  }
0x30: {  	s3 =	sld [smem:$0x3FAA]  }
0x31: {  	[smem:$0x3FB3] =	sst s10  }
0x32: {  	s10 =	sld [smem:$0x3FB1];
	_ =	sdelay $0x3  }
0x33: {  	p0 =	seq.s32 s10, $0x1;
	s10 =	sld [smem:$0x3FB3];
	_ =	sdelay $0x3  }
0x34: {  	[smem:$0x3FB3] =	sst s10  }
0x35: {  	s10 =	sld [smem:$0x3FB2];
	_ =	sdelay $0x3  }
0x36: {  	p1 =	seq.s32 s10, $0x1;
	s10 =	sld [smem:$0x3FB3];
	_ =	sdelay $0x3  }
0x37: {  	[smem:$0x3FB3] =	sst s10  }
0x38: {  	s10 =	sld [smem:$0x3FB4]  }
0x39: {  	_ = 	snop;
	(pc) =	sbr.ind lr, $3  }
0x3a: {  	_ = 	snop  }
0x3b: {  	_ = 	snop  }
0x3c: {  	p2 =	seq.s32 s10, $0x1;
	s10 =	sld [smem:$0x3FB3]  }
0x3d: {  	_ =	shalt  }
0x3e: {  	_ =	shalt  }
0x3f: {  	_ =	shalt  }
0x40: {  	_ =	shalt  }
0x41: {  	_ =	shalt  }
0x42: {  	_ =	shalt  }
0x43: {  	_ =	shalt  }
0x44: {  	_ =	shalt  }
0x45: {  	_ =	shalt  }
0x46: {  	_ =	shalt  }
0x47: {  	_ =	shalt  }
0x48: {  	_ =	shalt  }
0x49: {  	_ =	shalt  }
0x4a: {  	_ =	shalt  }
0x4b: {  	_ =	shalt  }
0x4c: {  	_ =	shalt  }
0x4d: {  	_ =	shalt  }
0x4e: {  	_ =	shalt  }
0x4f: {  	_ =	shalt  }
0x50: {  	_ =	shalt  }
0x51: {  	_ =	shalt  }
0x52: {  	_ =	shalt  }
0x53: {  	_ =	shalt  }
0x54: {  	_ =	shalt  }
0x55: {  	_ =	shalt  }
0x56: {  	_ =	shalt  }
0x57: {  	_ =	shalt  }
0x58: {  	_ =	shalt  }
0x59: {  	_ =	shalt  }
0x5a: {  	_ =	shalt  }
0x5b: {  	_ =	shalt  }
0x5c: {  	_ =	shalt  }
0x5d: {  	_ =	shalt  }
0x5e: {  	_ =	shalt  }
0x5f: {  	_ =	shalt  }
0x60: {  	_ =	shalt  }
0x61: {  	_ =	shalt  }
0x62: {  	_ =	shalt  }
0x63: {  	_ =	shalt  }
0x64: {  	_ =	shalt  }
0x65: {  	_ =	shalt  }
0x66: {  	_ =	shalt  }
0x67: {  	_ =	shalt  }
0x68: {  	_ =	shalt  }
0x69: {  	_ =	shalt  }
0x6a: {  	_ =	shalt  }
0x6b: {  	_ =	shalt  }
0x6c: {  	_ =	shalt  }
0x6d: {  	_ =	shalt  }
0x6e: {  	_ =	shalt  }
0x6f: {  	_ =	shalt  }
0x70: {  	_ =	shalt  }
0x71: {  	_ =	shalt  }
0x72: {  	_ =	shalt  }
0x73: {  	_ =	shalt  }
0x74: {  	_ =	shalt  }
0x75: {  	_ =	shalt  }
0x76: {  	_ =	shalt  }
0x77: {  	_ =	shalt  }
0x78: {  	_ =	shalt  }
0x79: {  	_ =	shalt  }
0x7a: {  	_ =	shalt  }
0x7b: {  	_ =	shalt  }
0x7c: {  	_ =	shalt  }
0x7d: {  	_ =	shalt  }
0x7e: {  	_ =	shalt  }
0x7f: {  	_ =	shalt  }
0x80: {  	_ =	shalt  }
0x81: {  	_ =	shalt  }
0x82: {  	_ =	shalt  }
0x83: {  	_ =	shalt  }
0x84: {  	_ =	shalt  }
0x85: {  	_ =	shalt  }
0x86: {  	_ =	shalt  }
0x87: {  	_ =	shalt  }
.Lfunc_end0:
.L_simem_size_0:
called_computation_lowered:
.L_overlay_start_0:
0x88: {  	s2 =	sld [smem:$0x3FD9]  }
0x89: {  	s3 =	sld [smem:$0x3FFE];
	_ =	sdelay $0x1  }
0x8a: {  	s1 =	srdreg.scid  }
0x8b: {  	s0 =	sand.u32 $0x1, s1  }
0x8c: {  	s17 =	sshll.u32 s0, $0xA;
	s2 =	sadd.s32 s3, s2  }
0x8d: {  	s2 =	sadd.s32 s2, s17  }
0x8e: {  	[smem:$0x3FBF] =	sst s2  }
0x8f: {  	_ = 	snop  }
0x90: {  	s2 =	sld [smem:$0x3FD0];
	(tm) =	ssettm $0x1  }
0x91: {  	s18 =	sld [smem:$0x3FFB];
	_ =	sdelay $0x3  }
0x92: {  	_ =	strace s18  }
0x93: {  	s3 =	sld [smem:$0x3FFC];
	_ =	sdelay $0x3  }
0x94: {  	_ =	strace s3  }
0x95: {  	s3 =	sld [smem:$0x3FFD];
	_ =	sdelay $0x3  }
0x96: {  	_ =	strace s3  }
0x97: {  	_ =	strace $0x8FFFFFFF  }
0x98: {  	s19 =	sld [smem:$0x3FDB];
	_ =	sdelay $0x1  }
0x99: {  	s4 =	simm.s32 $_scs_section_size  }
0x9a: {  	s5 =	simm.s32 $_size__tile_overlayer_lowered;
	s6 =	simm.s32 $_tile_overlayer_lowered  }
0x9b: {  	s22 =	simm.s32 $0x1BFF;
	s21 =	sshll.u32 s6, $0x1;
	s3 =	sadd.s32 s4, s19  }
0x9c: {  	s7 =	simm.s32 $0x0;
	s20 =	sshll.u32 s5, $0x1;
	s5 =	sadd.s32 s21, s3  }
0x9d: {  	[timem:s7], [sflag:s22] =	dma.local [hbm:s5], s20  }
0x9e: {  	_ =	swait.ge [sflag:s22], s20  }
0x9f: {  	s4 =	ssub.s32 $0x0, s20;
	[sflag:s22] =	ssyncset.done $0x0  }
0xa0: {  	[sflag:s22] =	ssyncadd.s32 s4;
	_ =	sdelay $0x1  }
0xa1: {  	s23 =	simm.s32 $0x1B8B  }
0xa2: {  	_ =	swait.ge [sflag:s23], $0x1  }
0xa3: {  	[sflag:s23] =	ssyncset.done $0x0  }
0xa4: {  	s25 =	simm.s32 $0x1B8E;
	s24 =	sld [smem:$0x3FFE];
	[sflag:s23] =	ssyncadd.s32 $0xFFFFFFFF  }
0xa5: {  	s26 =	simm.s32 $execute0_lowered;
	[smem:$0x3FD2] =	sst s25  }
0xa6: {  	s5 =	sshll.u32 s26, $0x1;
	_ =	strace $0x80000046;
	[dreg:$0x1] =	wrdreg $0xFFFFFFFF  }
0xa7: {  	s28 =	simm.s32 $_size_execute0_lowered;
	s3 =	sadd.s32 s3, s5;
	[dreg:$0x0] =	wrdreg $0x0  }
0xa8: {  	s5 =	sshll.u32 s28, $0x1;
	[dreg:$0x2] =	wrdreg s3  }
0xa9: {  	[dreg:$0x3] =	wrdreg s5  }
0xaa: {  	[dreg:$0x4] =	wrdreg $0xC0  }
0xab: {  	_ =	task [dreg:s7], $0x5FFFF  }
0xac: {  	[dreg:$0x1] =	wrdreg $0xFFFFFFFF  }
0xad: {  	[dreg:$0x0] =	wrdreg $0x60  }
0xae: {  	[dreg:$0x2] =	wrdreg s24  }
0xaf: {  	[dreg:$0x3] =	wrdreg s2  }
0xb0: {  	[dreg:$0x4] =	wrdreg $0x86800  }
0xb1: {  	[dreg:$0x5] =	wrdreg $0x9  }
0xb2: {  	_ =	task.clear_ibuf [dreg:s7], $0x6FFFF;
	_ =	strace $0x90000046  }
0xb3: {  	s29 =	simm.s32 $0x9;
	_ =	strace $0x80000048  }
0xb4: {  	_ =	swait.ge [sflag:s29], $0x1  }
0xb5: {  	[sflag:s29] =	ssyncadd.s32 $0xFFFFFFFF  }
0xb6: {  	_ =	strace $0x90000048  }
0xb7: {  	_ =	sfence  }
0xb8: {  	s30 =	sld [smem:$0x0];
	_ =	sdelay $0x2  }
0xb9: {  	s31 =	sshll.u32 s1, $0xD;
	s1 =	sshrl.u32 s1, $0x2  }
0xba: {  	s3 =	sand.u32 $0x4000, s31;
	s1 =	sadd.s32 s1, s30  }
0xbb: {  	s0 =	sor.u32 s3, s0;
	s1 =	sshll.u32 s1, $0x11  }
0xbc: {  	s0 =	sor.u32 s1, s0  }
0xbd: {  	s0 =	sadd.s32 $0x8F2B, s0  }
0xbe: {  	[sflag:s0] =	ssyncadd.remote.s32 $0x1  }
0xbf: {  	_ =	sfence.sel $0xFFFF  }
0xc0: {  	[dreg:$0x0] =	wrdreg $0xFFFFFFFF;
	(pc) =	sbr.abs _section_cstart, $3  }
0xc1: {  	[dreg:$0x1] =	wrdreg $0xFFFFFFFF  }
0xc2: {  	_ =	task.clear_ibuf [dreg:s7], $0x2FFFF;
	_ =	strace $0x9FFFFFFF  }
0xc3: {  	(tm) =	ssettm $0x7FFFFFFF  }
tec
execute0_lowered:
.L_overlay_start_1:
0x0: {  	(tag) =	ssettag $0x1  }
0x1: {  	s5 =	rddreg [dreg:$0x0]  }
0x2: {  	s1 =	srdreg.scid;
	s7 =	rddreg [dreg:$0x1]  }
0x3: {  	s0 =	stileid.u32;
	s2 =	rddreg [dreg:$0x2];
	s3 =	simm.s32 $0x0  }
0x4: {  	s16 =	simm.s32 $0x80;
	s17 =	simm.s32 $0x7680;
	s18 =	simm.s32 $0x1  }
0x5: {  	s19 =	simm.s32 $0x0;
	s6 =	sand.u32 $0x1, s1;
	s30 =	sshll.u32 s0, $0x1  }
0x6: {  	s9 =	smul.u32 $0x4F00, s0;
	[smem:$0x7FF] =	sst s3;
	s4 =	sadd.s32 $0xB200, s5  }
0x7: {  	s14 =	sshll.u32 s0, $0x6;
	s1 =	sor.u32 s6, s30;
	s10 =	smul.u32 $0x4F000, s6  }
0x8: {  	s6 =	ssub.s32 $0x2, s6;
	s14 =	sor.u32 $0x1C02, s14;
	s8 =	smul.u32 $0x4F0, s1  }
0x9: {  	s1 =	rddreg [dreg:$0x3];
	_ =	strace $0x80000047;
	s12 =	sshrl.u32 s9, $0x3  }
0xa: {  	s31 =	sshrl.u32 s6, $0x1;
	s15 =	sadd.s32 s9, s2;
	s10 =	sadd.s32 s9, s10  }
0xb: {  	s12 =	sadd.s32 s12, s5;
	s13 =	ssub.s32 s6, s31;
	s10 =	sshrl.u32 s10, $0x3  }
0xc: {  	s15 =	sshrl.u32 s15, $0x3;
	s11 =	sadd.s32 s8, s5;
	s10 =	sadd.s32 s10, s5  }
0xd: {  	s5 =	sadd.s32 s7, s8;
	s6 =	sadd.s32 $0x1400, s11;
	s7 =	sadd.s32 $0x59400, s11  }
0xe: {  	s8 =	sadd.s32 $0x63200, s12;
	s11 =	simm.s32 $0x2;
	s12 =	simm.s32 $0x2780  }
0xf: {  	s9 =	sadd.s32 $0x6D000, s10;
	s10 =	smax.u32 s13, $0x1;
	s13 =	simm.s32 $0x4F00  }
.LBB2_1:
0x10: {  	[tilespmem:s3], [sflag:$0x2] =	stream.linear.gather [hbm4b:s5+s3], $0x2780, $0x38;
	[tilespmem:$0xD580] =	vst v63  }
0x11: {  	_ =	swait.ge [sflag:s11], $0x2780  }
0x12: {  	[sflag:s11] =	ssyncset.done $0x0  }
0x13: {  	[sflag:s11] =	ssyncadd.s32 $0xFFFFD880  }
0x14: {  	[tilespmem:s12], [sflag:$0x2] =	stream.linear.gather [hbm4b:s6+s3], $0x2780, $0x38;
	[tilespmem:$0xD580] =	vst v63  }
0x15: {  	_ =	swait.ge [sflag:s11], $0x2780  }
0x16: {  	[sflag:s11] =	ssyncset.done $0x0  }
0x17: {  	[sflag:s11] =	ssyncadd.s32 $0xFFFFD880  }
0x18: {  	[tilespmem:s13], [sflag:$0x2] =	stream.linear.gather [hbm4b:s7+s3], $0x2780, $0x38;
	[tilespmem:$0xD580] =	vst v63  }
0x19: {  	_ =	swait.ge [sflag:s11], $0x2780  }
0x1a: {  	[sflag:s11] =	ssyncset.done $0x0  }
0x1b: {  	[sflag:s11] =	ssyncadd.s32 $0xFFFFD880  }
0x1c: {  	[spmem:s15], [sflag:s14] =	dma.local [hbm:s8], $0x9E0  }
0x1d: {  	_ =	swait.ge [sflag:s11], $0x9E0  }
0x1e: {  	[sflag:s11] =	ssyncset.done $0x0  }
0x1f: {  	s20 =	simm.s32 $0x0;
	[sflag:s11] =	ssyncadd.s32 $0xFFFFF620  }
0x20: {  	v6 =	vld [tilespmem:s20+$0x2780]  }
0x21: {  	v5 =	vld [tilespmem:s20+$0x2790]  }
0x22: {  	v4 =	vld [tilespmem:s20+$0x27A0]  }
0x23: {  	v3 =	vld [tilespmem:s20+$0x27B0]  }
0x24: {  	v2 =	vld [tilespmem:s20+$0x27C0]  }
0x25: {  	v1 =	vld [tilespmem:s20+$0x27D0]  }
0x26: {  	v0 =	vld [tilespmem:s20+$0x27E0]  }
0x27: {  	v7 =	vld [tilespmem:s20+$0x0]  }
0x28: {  	v12 =	vld [tilespmem:s20+$0x10]  }
0x29: {  	v10 =	vld [tilespmem:s20+$0x20]  }
0x2a: {  	v9 =	vld [tilespmem:s20+$0x30]  }
0x2b: {  	v8 =	vld [tilespmem:s20+$0x40]  }
0x2c: {  	v11 =	vshll.u32 v7, $0x3;
	v7 =	vld [tilespmem:s20+$0x50]  }
0x2d: {  	s21 =	simm.s32 $0x200;
	v12 =	vshll.u32 v12, $0x3;
	v11 =	vadd.s32 v6, v11;
	v6 =	vld [tilespmem:s20+$0x60]  }
.LBB2_2:
0x2e: {  	p0 =	sne.s32 s21, $0x9C00;
	[tilespmem:s20+$0x0] =	vst v11;
	v5 =	vadd.s32 v5, v12;
	v10 =	vshll.u32 v10, $0x3;
	v11 =	vld [tilespmem:s20+$0x70]  }
0x2f: {  	s22 =	sshra.s32 s21, $0x2;
	[tilespmem:s20+$0x10] =	vst v5;
	v4 =	vadd.s32 v4, v10;
	v5 =	vshll.u32 v9, $0x3;
	v9 =	vld [tilespmem:s20+$0x27F0]  }
0x30: {  	v12 =	vld [tilespmem:s22+$0x2780];
	[tilespmem:s20+$0x20] =	vst v4;
	v3 =	vadd.s32 v3, v5;
	v4 =	vshll.u32 v8, $0x3  }
0x31: {  	v5 =	vld [tilespmem:s22+$0x2790];
	[tilespmem:s20+$0x30] =	vst v3;
	v2 =	vadd.s32 v2, v4;
	v3 =	vshll.u32 v7, $0x3  }
0x32: {  	v4 =	vld [tilespmem:s22+$0x27A0];
	[tilespmem:s20+$0x40] =	vst v2;
	v1 =	vadd.s32 v1, v3;
	v2 =	vshll.u32 v6, $0x3  }
0x33: {  	v3 =	vld [tilespmem:s22+$0x27B0];
	[tilespmem:s20+$0x50] =	vst v1;
	v0 =	vadd.s32 v0, v2;
	v1 =	vshll.u32 v11, $0x3  }
0x34: {  	v2 =	vld [tilespmem:s22+$0x27C0];
	[tilespmem:s20+$0x60] =	vst v0;
	v0 =	vadd.s32 v9, v1  }
0x35: {  	v1 =	vld [tilespmem:s22+$0x27D0];
	[tilespmem:s20+$0x70] =	vst v0;
	s20 =	smov.u32 s22  }
0x36: {  	v0 =	vld [tilespmem:s20+$0x27E0]  }
0x37: {  	v6 =	vld [tilespmem:s20+$0x0]  }
0x38: {  	v13 =	vld [tilespmem:s20+$0x10]  }
.Ltmp0:
0x39: {  	v10 =	vld [tilespmem:s20+$0x20];
	(pc) =	sbr.rel @p0 .LBB2_2-.Ltmp0, $4  }
0x3a: {  	v9 =	vld [tilespmem:s20+$0x30]  }
0x3b: {  	v8 =	vld [tilespmem:s20+$0x40]  }
0x3c: {  	v6 =	vshll.u32 v6, $0x3;
	v7 =	vld [tilespmem:s20+$0x50]  }
0x3d: {  	s21 =	sadd.s32 $0x200, s21;
	v11 =	vadd.s32 v12, v6;
	v12 =	vshll.u32 v13, $0x3;
	v6 =	vld [tilespmem:s20+$0x60]  }
0x3e: {  	[tilespmem:s20+$0x0] =	vst v11;
	v5 =	vadd.s32 v5, v12;
	v56 =	vld [tilespmem:s20+$0x70];
	v10 =	vshll.u32 v10, $0x3  }
0x3f: {  	v58 =	vld [tilespmem:s20+$0x27F0];
	[tilespmem:s20+$0x10] =	vst v5;
	v4 =	vadd.s32 v4, v10;
	v57 =	vshll.u32 v9, $0x3  }
0x40: {  	[tilespmem:s20+$0x20] =	vst v4;
	v3 =	vadd.s32 v3, v57;
	v59 =	vshll.u32 v8, $0x3  }
0x41: {  	[tilespmem:s20+$0x30] =	vst v3;
	v2 =	vadd.s32 v2, v59;
	v60 =	vshll.u32 v7, $0x3  }
0x42: {  	[tilespmem:s20+$0x40] =	vst v2;
	v1 =	vadd.s32 v1, v60;
	v61 =	vshll.u32 v6, $0x3  }
0x43: {  	[tilespmem:s20+$0x50] =	vst v1;
	v0 =	vadd.s32 v0, v61;
	v62 =	vshll.u32 v56, $0x3  }
0x44: {  	[tilespmem:s20+$0x60] =	vst v0;
	v63 =	vadd.s32 v58, v62  }
0x45: {  	[tilespmem:s20+$0x70] =	vst v63  }
0x46: {  	s30 =	simm.s32 $0x0;
	[bflag:$0x0] =	sbarrier.arrive $0xFFFF  }
0x47: {  	[tilespmem:s17], [sflag:$0x1] =	stream.indirect.gather [hbm4b:s4+s16], $0x20, s30, s16, $0xb8;
	[tilespmem:$0xD580] =	vst v63  }
0x48: {  	_ =	swait.ge [sflag:s18], $0x1000  }
0x49: {  	[sflag:s18] =	ssyncset.done $0x0  }
0x4a: {  	s31 =	simm.s32 $0x4F00;
	[sflag:s18] =	ssyncadd.s32 $0xFFFFF000  }
0x4b: {  	[spmem:s2] =	stream.indirect.scatter.add.f32 [tilespmem:s17], [sflag:$0x2], $0x20, s31, s16, $0xb8;
	[tilespmem:$0xD580] =	vst v63  }
0x4c: {  	_ =	swait.ge [sflag:s11], $0x1000  }
0x4d: {  	s21 =	simm.s32 $0x400;
	s20 =	simm.s32 $0x200;
	[sflag:s11] =	ssyncset.done $0x0  }
.LBB2_4:
0x4e: {  	s22 =	sshra.s32 s20, $0x2  }
0x4f: {  	[sflag:s11] =	ssyncadd.s32 $0xFFFFF000;
	s20 =	smov.u32 s21;
	s23 =	sadd.s32 $0x200, s21  }
0x50: {  	[tilespmem:s17], [sflag:$0x1] =	stream.indirect.gather [hbm4b:s4+s16], $0x20, s22, s16, $0xb8;
	[tilespmem:$0xD580] =	vst v63  }
0x51: {  	p0 =	sne.s32 s21, $0x9C00;
	_ =	swait.ge [sflag:s18], $0x1000  }
.Ltmp1:
0x52: {  	[sflag:s18] =	ssyncset.done $0x0;
	(pc) =	sbr.rel @p0 .LBB2_4-.Ltmp1, $4  }
0x53: {  	s21 =	sadd.s32 $0x4F00, s22;
	[sflag:s18] =	ssyncadd.s32 $0xFFFFF000  }
0x54: {  	[spmem:s2] =	stream.indirect.scatter.add.f32 [tilespmem:s17], [sflag:$0x2], $0x20, s21, s16, $0xb8;
	[tilespmem:$0xD580] =	vst v63  }
0x55: {  	_ =	swait.ge [sflag:s11], $0x1000  }
0x56: {  	s21 =	smov.u32 s23;
	[sflag:s11] =	ssyncset.done $0x0  }
0x57: {  	s20 =	sshra.s32 s20, $0x2;
	[sflag:s11] =	ssyncadd.s32 $0xFFFFF000  }
0x58: {  	[tilespmem:s17], [sflag:$0x1] =	stream.indirect.gather [hbm4b:s4+s16], $0x20, s20, s16, $0xb8;
	[tilespmem:$0xD580] =	vst v63  }
0x59: {  	_ =	swait.ge [sflag:s18], $0x1000  }
0x5a: {  	[sflag:s18] =	ssyncset.done $0x0  }
0x5b: {  	s20 =	sadd.s32 $0x4F00, s20;
	[sflag:s18] =	ssyncadd.s32 $0xFFFFF000  }
0x5c: {  	[spmem:s2] =	stream.indirect.scatter.add.f32 [tilespmem:s17], [sflag:$0x2], $0x20, s20, s16, $0xb8;
	[tilespmem:$0xD580] =	vst v63  }
0x5d: {  	_ =	swait.ge [sflag:s11], $0x1000  }
0x5e: {  	s19 =	sadd.s32 $0x1, s19;
	[sflag:s11] =	ssyncset.done $0x0  }
0x5f: {  	p0 =	sne.s32 s19, s10;
	[sflag:s11] =	ssyncadd.s32 $0xFFFFF000  }
.Ltmp2:
0x60: {  	[bflag:$0x0] =	sbarrier.arrive $0xFFFF;
	(pc) =	sbr.rel @p0 .LBB2_1-.Ltmp2, $4  }
0x61: {  	[hbm:s9], [sflag:s14] =	dma.local [spmem:s15], $0x9E0  }
0x62: {  	_ =	swait.ge [sflag:s11], $0x9E0  }
0x63: {  	[sflag:s11] =	ssyncset.done $0x0  }
0x64: {  	[sflag:s11] =	ssyncadd.s32 $0xFFFFF620  }
0x65: {  	_ =	sfence.sel $0x180000  }
0x66: {  	[bflag:$0x0] =	sbarrier.arrive $0xFFFF  }
0x67: {  	p0 =	sne.s32 s0, $0x0;
	_ =	strace $0x90000047  }
0x68: {  	s0 =	sadd.s32 @!p0 $0x100000, s1;
	[bflag:$0x2] =	sbarrier.arrive $0xFFFF  }
0x69: {  	[sflag:s0] =	ssyncadd.tile.s32 @!p0 $0x1;
	_ =	shalt  }
.Lfunc_end2:
_tile_overlayer_lowered:
.L_overlay_start_2:
0x6a: {  	(tag) =	ssettag $0x2  }
0x6b: {  	s0 =	rddreg [dreg:$0x0];
	s2 =	stileid.u32  }
0x6c: {  	s1 =	rddreg [dreg:$0x1];
	p0 =	sne.s32 s2, $0x0  }
0x6d: {  	s3 =	rddreg [dreg:$0x2];
	[bflag:$0x3] =	sbarrier.arrive $0xFFFF;
	s2 =	simm.s32 @!p0 $0x1C02  }
0x6e: {  	[timem:s3], [sflag:s2] =	dma.local @!p0 [hbm:s0], s1  }
0x6f: {  	s0 =	simm.s32 @!p0 $0x2  }
0x70: {  	_ =	swait.ge @!p0 [sflag:s0], s1  }
0x71: {  	s1 =	ssub.s32 @!p0 $0x0, s1;
	[sflag:s0] =	ssyncset.done @!p0 $0x0  }
0x72: {  	[sflag:s0] =	ssyncadd.s32 @!p0 s1  }
0x73: {  	[bflag:$0x3] =	sbarrier.arrive $0xFFFF  }
0x74: {  	_ =	shalt  }

</sc_bundles>
